<compile_context>
chip_gen: v7x
topology: tpu7x:2x2x1
jax: 0.10.2.dev20260603
libtpu: 0.0.44.dev20260713+nightly
codegen_flags: <defaults>
</compile_context>

<pallas_src>
import functools

import numpy as np
import jax
import jax.numpy as jnp
from jax import lax
from jax.experimental import pallas as pl
from jax.experimental.pallas import tpu as pltpu
from jax.experimental.pallas import tpu_sc as plsc

_VOCAB = 100000
_EMBED = 128
_WINDOW = 200
_BATCH = 1024
_SCALE = float(np.sqrt(float(_EMBED)))

_NC = 2
_NS = 16
_NW = _NC * _NS
_ROWS_PER_W = _BATCH // _NW
_HALF = _WINDOW // 2
_PAIRS = _ROWS_PER_W // 2
_C0 = 104
_C1 = _WINDOW - _C0


def _positional_encoding(length, depth):
    pos = np.arange(length)[:, np.newaxis]
    i = np.arange(depth)[np.newaxis, :]
    val = pos / 10000 ** (2 * (i // 2) / depth)
    pe = np.concatenate([np.sin(val[:, 0::2]), np.cos(val[:, 1::2])], axis=-1)
    return pe.astype(np.float32)


_POS = _positional_encoding(_WINDOW, _EMBED)


def _sc_body(x_hbm, pos_hbm, table_hbm, out_hbm,
             idx_v, in0, in1, out0, out1, pos_v, sg0, sg1, sw0, sw1):
    ins = (in0, in1)
    outs = (out0, out1)
    offs = (0, _C0)
    sizes = (_C0, _C1)
    sgs = (sg0, sg1)
    sws = (sw0, sw1)
    wid = lax.axis_index("s") * _NC + lax.axis_index("c")
    base = wid * _ROWS_PER_W
    pltpu.sync_copy(pos_hbm, pos_v)
    pltpu.sync_copy(x_hbm.at[wid], idx_v)

    def start_gather_half(r, s, h):
        pltpu.async_copy(table_hbm.at[idx_v.at[r, h]],
                         ins[s].at[pl.ds(h * _HALF, _HALF)], sgs[s])

    def start_gather(r, s):
        start_gather_half(r, s, 0)
        start_gather_half(r, s, 1)

    def wait_gather(s):
        pltpu.make_async_copy(
            table_hbm.at[pl.ds(0, _WINDOW)], ins[s], sgs[s]).wait()

    def start_wb(q, r):
        pltpu.async_copy(outs[q],
                         out_hbm.at[base + r, pl.ds(offs[q], sizes[q])],
                         sws[q])

    def wait_wb(q):
        pltpu.make_async_copy(
            outs[q], out_hbm.at[0, pl.ds(offs[q], sizes[q])], sws[q]).wait()

    def compute_chunk(s, q):
        src = ins[s]
        dst = outs[q]
        off = offs[q]

        def tok(t, c):
            for u in range(2):
                tt = t * 2 + u
                for v in range(_EMBED // 16):
                    dst[tt, pl.ds(v * 16, 16)] = (
                        src[off + tt, pl.ds(v * 16, 16)] * _SCALE
                        + pos_v[off + tt, pl.ds(v * 16, 16)])
            return c
        lax.fori_loop(0, sizes[q] // 2, tok, 0)

    start_gather(0, 0)
    start_gather(1, 1)

    def pair(j, carry):
        for s in range(2):
            r = 2 * j + s
            wait_gather(s)
            for q in range(2):

                @pl.when(r > 0)
                def _():
                    wait_wb(q)
                compute_chunk(s, q)
                start_wb(q, r)

                @pl.when(j < _PAIRS - 1)
                def _():
                    start_gather_half(r + 2, s, q)
        return carry

    lax.fori_loop(0, _PAIRS, pair, 0)
    wait_wb(0)
    wait_wb(1)


@jax.jit
def kernel(x, table):
    x4 = x.reshape(_NW, _ROWS_PER_W, 2, _HALF)
    pos = jnp.asarray(_POS)
    mesh = plsc.VectorSubcoreMesh(core_axis_name="c", subcore_axis_name="s")
    call = functools.partial(
        pl.kernel,
        mesh=mesh,
        out_type=jax.ShapeDtypeStruct((_BATCH, _WINDOW, _EMBED), jnp.float32),
        scratch_types=(
            [pltpu.VMEM((_ROWS_PER_W, 2, _HALF), jnp.int32)]
            + [pltpu.VMEM((_WINDOW, _EMBED), jnp.float32)] * 2
            + [pltpu.VMEM((_C0, _EMBED), jnp.float32)]
            + [pltpu.VMEM((_C1, _EMBED), jnp.float32)]
            + [pltpu.VMEM((_WINDOW, _EMBED), jnp.float32)]
            + [pltpu.SemaphoreType.DMA] * 4
        ),
    )(_sc_body)
    return call(x4, pos, table)

# --- scband reference (transcript-rebuilt; emitter-appended) ---
"""Pipeline reference for scband-positional-encoding-79843442032742 (READ-ONLY COPY).

The authoritative reference and input builder live on the scoring server;
editing this copy changes nothing except your own understanding.
"""

import jax, jax.numpy as jnp
import numpy as np

VOCAB = 100000
EMBED = 128
WINDOW = 200
BATCH = 1024

def positional_encoding(length, depth):
    pos = np.arange(length)[:, np.newaxis]
    i = np.arange(depth)[np.newaxis, :]
    val = pos / 10000 ** (2 * (i // 2) / depth)
    pe = np.concatenate([np.sin(val[:, 0::2]), np.cos(val[:, 1::2])], axis=-1)
    return jnp.asarray(pe, dtype=jnp.float32)

POS_ENC = positional_encoding(WINDOW, EMBED)[:WINDOW, :]

def setup_inputs(seed: int = 0) -> dict:
    key = jax.random.key(seed)
    k1, k2 = jax.random.split(key)
    x = jax.random.randint(k1, (BATCH, WINDOW), 0, VOCAB, dtype=jnp.int32)
    table = jax.random.normal(k2, (VOCAB, EMBED), dtype=jnp.float32) * 0.02
    return {"x": x, "table": table}

def reference(x, table):
    length = x.shape[1]
    emb = jnp.take(table, x, axis=0)
    emb = emb * jnp.sqrt(jnp.asarray(EMBED, dtype=jnp.float32))
    pos_exp = POS_ENC[jnp.newaxis, :length, :]
    pos_exp = jnp.broadcast_to(pos_exp, (x.shape[0], length, EMBED))
    return emb + pos_exp

if __name__ == "__main__":
    import jax
    _d = setup_inputs()
    print(jax.jit(kernel)(*tuple(_d.values())))

</pallas_src>

<mosaic_0001>
#map = affine_map<(d0, d1) -> (0, 0, 0, 0)>
#map1 = affine_map<(d0, d1) -> (0, 0)>
#map2 = affine_map<(d0, d1) -> (0, 0, 0)>
module attributes {stable_mosaic.version = 14 : i64} {
  func.func @_sc_body(%arg0: i32, %arg1: i32, %arg2: memref<32x32x2x100xi32, #tpu.memory_space<hbm>>, %arg3: memref<200x128xf32, #tpu.memory_space<hbm>>, %arg4: memref<100000x128xf32, #tpu.memory_space<hbm>>, %arg5: memref<1024x200x128xf32, #tpu.memory_space<hbm>>, %arg6: memref<32x2x100xi32, #tpu.memory_space<vmem>>, %arg7: memref<200x128xf32, #tpu.memory_space<vmem>>, %arg8: memref<200x128xf32, #tpu.memory_space<vmem>>, %arg9: memref<104x128xf32, #tpu.memory_space<vmem>>, %arg10: memref<96x128xf32, #tpu.memory_space<vmem>>, %arg11: memref<200x128xf32, #tpu.memory_space<vmem>>, %arg12: memref<!tpu.dma_semaphore, #tpu.memory_space<semaphore_mem>>, %arg13: memref<!tpu.dma_semaphore, #tpu.memory_space<semaphore_mem>>, %arg14: memref<!tpu.dma_semaphore, #tpu.memory_space<semaphore_mem>>, %arg15: memref<!tpu.dma_semaphore, #tpu.memory_space<semaphore_mem>>) attributes {dimension_semantics = [#tpu.dimension_semantics<core_parallel>, #tpu.dimension_semantics<subcore_parallel>], iteration_bounds = array<i64: 2, 16>, scalar_prefetch = 0 : i64, scratch_operands = 10 : i64, tpu.core_type = #tpu.core_type<sc_vector_subcore>, window_params = [{transform_indices = #map}, {transform_indices = #map1}, {transform_indices = #map1}, {transform_indices = #map2}]} {
    %mul3A = arith.constant 2 : i32
    %mul3A_0 = arith.muli %arg1, %mul3A : i32
    %add3A = arith.addi %mul3A_0, %arg0 : i32
    %mul3A_1 = arith.constant 32 : i32
    %mul3A_2 = arith.muli %add3A, %mul3A_1 : i32
    "tpu.region"() ({
      %run_scoped3A = tpu.sem_alloc : memref<!tpu.dma_semaphore, #tpu.memory_space<semaphore_mem>>
      tpu.enqueue_dma source(%arg3 : memref<200x128xf32, #tpu.memory_space<hbm>>) target(%arg11 : memref<200x128xf32, #tpu.memory_space<vmem>>) target_semaphore(%run_scoped3A : memref<!tpu.dma_semaphore, #tpu.memory_space<semaphore_mem>>)
      tpu.wait_dma2 semaphore(%run_scoped3A : memref<!tpu.dma_semaphore, #tpu.memory_space<semaphore_mem>>) src(%arg3 : memref<200x128xf32, #tpu.memory_space<hbm>>) dst(%arg11 : memref<200x128xf32, #tpu.memory_space<vmem>>)
      tpu.yield
    }) : () -> ()
    "tpu.region"() ({
      %run_scoped3A = tpu.sem_alloc : memref<!tpu.dma_semaphore, #tpu.memory_space<semaphore_mem>>
      %dma_start3A_68 = arith.constant 0 : i32
      %dma_start3A_69 = arith.constant 0 : i32
      %dma_start3A_70 = arith.constant 0 : i32
      %dma_start3A_71 = tpu.memref_slice %arg2[%add3A, %dma_start3A_68, %dma_start3A_69, %dma_start3A_70] : memref<32x32x2x100xi32, #tpu.memory_space<hbm>> -> memref<1x32x2x100xi32, #tpu.memory_space<hbm>>
      %dma_start3A_72 = tpu.memref_squeeze %dma_start3A_71 : memref<1x32x2x100xi32, #tpu.memory_space<hbm>> -> memref<32x2x100xi32, #tpu.memory_space<hbm>>
      %dma_start3A_73 = arith.constant 0 : i32
      %dma_start3A_74 = arith.constant 0 : i32
      %dma_start3A_75 = arith.constant 0 : i32
      %dma_start3A_76 = tpu.memref_slice %arg2[%add3A, %dma_start3A_73, %dma_start3A_74, %dma_start3A_75] : memref<32x32x2x100xi32, #tpu.memory_space<hbm>> -> memref<1x32x2x100xi32, #tpu.memory_space<hbm>>
      %dma_start3A_77 = tpu.memref_squeeze %dma_start3A_76 : memref<1x32x2x100xi32, #tpu.memory_space<hbm>> -> memref<32x2x100xi32, #tpu.memory_space<hbm>>
      tpu.enqueue_dma source(%dma_start3A_77 : memref<32x2x100xi32, #tpu.memory_space<hbm>>) target(%arg6 : memref<32x2x100xi32, #tpu.memory_space<vmem>>) target_semaphore(%run_scoped3A : memref<!tpu.dma_semaphore, #tpu.memory_space<semaphore_mem>>)
      %dma_wait3A_78 = arith.constant 0 : i32
      %dma_wait3A_79 = arith.constant 0 : i32
      %dma_wait3A_80 = arith.constant 0 : i32
      %dma_wait3A_81 = tpu.memref_slice %arg2[%add3A, %dma_wait3A_78, %dma_wait3A_79, %dma_wait3A_80] : memref<32x32x2x100xi32, #tpu.memory_space<hbm>> -> memref<1x32x2x100xi32, #tpu.memory_space<hbm>>
      %dma_wait3A_82 = tpu.memref_squeeze %dma_wait3A_81 : memref<1x32x2x100xi32, #tpu.memory_space<hbm>> -> memref<32x2x100xi32, #tpu.memory_space<hbm>>
      %dma_wait3A_83 = arith.constant 0 : i32
      %dma_wait3A_84 = arith.constant 0 : i32
      %dma_wait3A_85 = arith.constant 0 : i32
      %dma_wait3A_86 = tpu.memref_slice %arg2[%add3A, %dma_wait3A_83, %dma_wait3A_84, %dma_wait3A_85] : memref<32x32x2x100xi32, #tpu.memory_space<hbm>> -> memref<1x32x2x100xi32, #tpu.memory_space<hbm>>
      %dma_wait3A_87 = tpu.memref_squeeze %dma_wait3A_86 : memref<1x32x2x100xi32, #tpu.memory_space<hbm>> -> memref<32x2x100xi32, #tpu.memory_space<hbm>>
      tpu.wait_dma2 semaphore(%run_scoped3A : memref<!tpu.dma_semaphore, #tpu.memory_space<semaphore_mem>>) src(%dma_wait3A_87 : memref<32x2x100xi32, #tpu.memory_space<hbm>>) dst(%arg6 : memref<32x2x100xi32, #tpu.memory_space<vmem>>)
      tpu.yield
    }) : () -> ()
    %dma_start3A = arith.constant 0 : i32
    %dma_start3A_3 = arith.constant 0 : i32
    %dma_start3A_4 = arith.constant 0 : i32
    %dma_start3A_5 = arith.constant 0 : i32
    %dma_start3A_6 = tpu.memref_slice %arg7[%dma_start3A_4, %dma_start3A_5] : memref<200x128xf32, #tpu.memory_space<vmem>> -> memref<100x128xf32, #tpu.memory_space<vmem>>
    %dma_start3A_7 = arith.constant 0 : i32
    %dma_start3A_8 = tpu.memref_slice %arg6[%dma_start3A, %dma_start3A_3, %dma_start3A_7] : memref<32x2x100xi32, #tpu.memory_space<vmem>> -> memref<1x1x100xi32, #tpu.memory_space<vmem>>
    %dma_start3A_9 = tpu.memref_squeeze %dma_start3A_8 : memref<1x1x100xi32, #tpu.memory_space<vmem>> -> memref<100xi32, #tpu.memory_space<vmem>>
    %dma_start3A_10 = arith.constant 0 : i32
    %dma_start3A_11 = arith.constant 0 : i32
    %dma_start3A_12 = tpu.memref_slice %arg4[%dma_start3A_10, %dma_start3A_11] : memref<100000x128xf32, #tpu.memory_space<hbm>> -> memref<100000x128xf32, #tpu.memory_space<hbm>>
    tpu.enqueue_indirect_dma source(%dma_start3A_12 : memref<100000x128xf32, #tpu.memory_space<hbm>>) target(%dma_start3A_6 : memref<100x128xf32, #tpu.memory_space<vmem>>) offsets(%dma_start3A_9 : memref<100xi32, #tpu.memory_space<vmem>>) semaphore(%arg12 : memref<!tpu.dma_semaphore, #tpu.memory_space<semaphore_mem>>)
    %dma_start3A_13 = arith.constant 0 : i32
    %dma_start3A_14 = arith.constant 1 : i32
    %dma_start3A_15 = arith.constant 100 : i32
    %dma_start3A_16 = arith.constant 0 : i32
    %dma_start3A_17 = tpu.memref_slice %arg7[%dma_start3A_15, %dma_start3A_16] : memref<200x128xf32, #tpu.memory_space<vmem>> -> memref<100x128xf32, #tpu.memory_space<vmem>>
    %dma_start3A_18 = arith.constant 0 : i32
    %dma_start3A_19 = tpu.memref_slice %arg6[%dma_start3A_13, %dma_start3A_14, %dma_start3A_18] : memref<32x2x100xi32, #tpu.memory_space<vmem>> -> memref<1x1x100xi32, #tpu.memory_space<vmem>>
    %dma_start3A_20 = tpu.memref_squeeze %dma_start3A_19 : memref<1x1x100xi32, #tpu.memory_space<vmem>> -> memref<100xi32, #tpu.memory_space<vmem>>
    %dma_start3A_21 = arith.constant 0 : i32
    %dma_start3A_22 = arith.constant 0 : i32
    %dma_start3A_23 = tpu.memref_slice %arg4[%dma_start3A_21, %dma_start3A_22] : memref<100000x128xf32, #tpu.memory_space<hbm>> -> memref<100000x128xf32, #tpu.memory_space<hbm>>
    tpu.enqueue_indirect_dma source(%dma_start3A_23 : memref<100000x128xf32, #tpu.memory_space<hbm>>) target(%dma_start3A_17 : memref<100x128xf32, #tpu.memory_space<vmem>>) offsets(%dma_start3A_20 : memref<100xi32, #tpu.memory_space<vmem>>) semaphore(%arg12 : memref<!tpu.dma_semaphore, #tpu.memory_space<semaphore_mem>>)
    %dma_start3A_24 = arith.constant 1 : i32
    %dma_start3A_25 = arith.constant 0 : i32
    %dma_start3A_26 = arith.constant 0 : i32
    %dma_start3A_27 = arith.constant 0 : i32
    %dma_start3A_28 = tpu.memref_slice %arg8[%dma_start3A_26, %dma_start3A_27] : memref<200x128xf32, #tpu.memory_space<vmem>> -> memref<100x128xf32, #tpu.memory_space<vmem>>
    %dma_start3A_29 = arith.constant 0 : i32
    %dma_start3A_30 = tpu.memref_slice %arg6[%dma_start3A_24, %dma_start3A_25, %dma_start3A_29] : memref<32x2x100xi32, #tpu.memory_space<vmem>> -> memref<1x1x100xi32, #tpu.memory_space<vmem>>
    %dma_start3A_31 = tpu.memref_squeeze %dma_start3A_30 : memref<1x1x100xi32, #tpu.memory_space<vmem>> -> memref<100xi32, #tpu.memory_space<vmem>>
    %dma_start3A_32 = arith.constant 0 : i32
    %dma_start3A_33 = arith.constant 0 : i32
    %dma_start3A_34 = tpu.memref_slice %arg4[%dma_start3A_32, %dma_start3A_33] : memref<100000x128xf32, #tpu.memory_space<hbm>> -> memref<100000x128xf32, #tpu.memory_space<hbm>>
    tpu.enqueue_indirect_dma source(%dma_start3A_34 : memref<100000x128xf32, #tpu.memory_space<hbm>>) target(%dma_start3A_28 : memref<100x128xf32, #tpu.memory_space<vmem>>) offsets(%dma_start3A_31 : memref<100xi32, #tpu.memory_space<vmem>>) semaphore(%arg13 : memref<!tpu.dma_semaphore, #tpu.memory_space<semaphore_mem>>)
    %dma_start3A_35 = arith.constant 1 : i32
    %dma_start3A_36 = arith.constant 1 : i32
    %dma_start3A_37 = arith.constant 100 : i32
    %dma_start3A_38 = arith.constant 0 : i32
    %dma_start3A_39 = tpu.memref_slice %arg8[%dma_start3A_37, %dma_start3A_38] : memref<200x128xf32, #tpu.memory_space<vmem>> -> memref<100x128xf32, #tpu.memory_space<vmem>>
    %dma_start3A_40 = arith.constant 0 : i32
    %dma_start3A_41 = tpu.memref_slice %arg6[%dma_start3A_35, %dma_start3A_36, %dma_start3A_40] : memref<32x2x100xi32, #tpu.memory_space<vmem>> -> memref<1x1x100xi32, #tpu.memory_space<vmem>>
    %dma_start3A_42 = tpu.memref_squeeze %dma_start3A_41 : memref<1x1x100xi32, #tpu.memory_space<vmem>> -> memref<100xi32, #tpu.memory_space<vmem>>
    %dma_start3A_43 = arith.constant 0 : i32
    %dma_start3A_44 = arith.constant 0 : i32
    %dma_start3A_45 = tpu.memref_slice %arg4[%dma_start3A_43, %dma_start3A_44] : memref<100000x128xf32, #tpu.memory_space<hbm>> -> memref<100000x128xf32, #tpu.memory_space<hbm>>
    tpu.enqueue_indirect_dma source(%dma_start3A_45 : memref<100000x128xf32, #tpu.memory_space<hbm>>) target(%dma_start3A_39 : memref<100x128xf32, #tpu.memory_space<vmem>>) offsets(%dma_start3A_42 : memref<100xi32, #tpu.memory_space<vmem>>) semaphore(%arg13 : memref<!tpu.dma_semaphore, #tpu.memory_space<semaphore_mem>>)
    %scan3A = arith.constant 0 : i32
    %scan3A_46 = arith.constant 0 : i32
    %scan3A_47 = arith.constant 16 : i32
    %scan3A_48 = arith.addi %scan3A_46, %scan3A_47 : i32
    %scan3A_49 = arith.constant 1 : i32
    scf.for %scan3A_68 = %scan3A_46 to %scan3A_48 step %scan3A_49  : i32 {
      %mul3A_69 = arith.constant 2 : i32
      %mul3A_70 = arith.muli %mul3A_69, %scan3A_68 : i32
      %add3A_71 = arith.constant 0 : i32
      %add3A_72 = arith.addi %mul3A_70, %add3A_71 : i32
      %dma_wait3A_73 = arith.constant 0 : i32
      %dma_wait3A_74 = arith.constant 0 : i32
      %dma_wait3A_75 = tpu.memref_slice %arg4[%dma_wait3A_73, %dma_wait3A_74] : memref<100000x128xf32, #tpu.memory_space<hbm>> -> memref<200x128xf32, #tpu.memory_space<hbm>>
      %dma_wait3A_76 = arith.constant 0 : i32
      %dma_wait3A_77 = arith.constant 0 : i32
      %dma_wait3A_78 = tpu.memref_slice %arg4[%dma_wait3A_76, %dma_wait3A_77] : memref<100000x128xf32, #tpu.memory_space<hbm>> -> memref<200x128xf32, #tpu.memory_space<hbm>>
      tpu.wait_dma2 semaphore(%arg12 : memref<!tpu.dma_semaphore, #tpu.memory_space<semaphore_mem>>) src(%dma_wait3A_78 : memref<200x128xf32, #tpu.memory_space<hbm>>) dst(%arg7 : memref<200x128xf32, #tpu.memory_space<vmem>>)
      %gt3A = arith.constant 0 : i32
      %gt3A_79 = arith.cmpi sgt, %add3A_72, %gt3A : i32
      %convert_element_type3A = arith.extui %gt3A_79 : i1 to i32
      %cond3A = arith.constant 0 : i32
      %cond3A_80 = arith.cmpi ne, %convert_element_type3A, %cond3A : i32
      scf.if %cond3A_80 {
        %dma_wait3A_185 = arith.constant 0 : i32
        %dma_wait3A_186 = arith.constant 0 : i32
        %dma_wait3A_187 = arith.constant 0 : i32
        %dma_wait3A_188 = tpu.memref_slice %arg5[%dma_wait3A_185, %dma_wait3A_186, %dma_wait3A_187] : memref<1024x200x128xf32, #tpu.memory_space<hbm>> -> memref<1x104x128xf32, #tpu.memory_space<hbm>>
        %dma_wait3A_189 = tpu.memref_squeeze %dma_wait3A_188 : memref<1x104x128xf32, #tpu.memory_space<hbm>> -> memref<104x128xf32, #tpu.memory_space<hbm>>
        %dma_wait3A_190 = arith.constant 0 : i32
        %dma_wait3A_191 = arith.constant 0 : i32
        %dma_wait3A_192 = tpu.memref_slice %arg5[%dma_wait3A_185, %dma_wait3A_190, %dma_wait3A_191] : memref<1024x200x128xf32, #tpu.memory_space<hbm>> -> memref<1x104x128xf32, #tpu.memory_space<hbm>>
        %dma_wait3A_193 = tpu.memref_squeeze %dma_wait3A_192 : memref<1x104x128xf32, #tpu.memory_space<hbm>> -> memref<104x128xf32, #tpu.memory_space<hbm>>
        tpu.wait_dma2 semaphore(%arg14 : memref<!tpu.dma_semaphore, #tpu.memory_space<semaphore_mem>>) src(%arg9 : memref<104x128xf32, #tpu.memory_space<vmem>>) dst(%dma_wait3A_193 : memref<104x128xf32, #tpu.memory_space<hbm>>)
      } else {
      }
      %scan3A_81 = arith.constant 0 : i32
      %scan3A_82 = arith.constant 0 : i32
      %scan3A_83 = arith.constant 52 : i32
      %scan3A_84 = arith.addi %scan3A_82, %scan3A_83 : i32
      %scan3A_85 = arith.constant 1 : i32
      scf.for %scan3A_185 = %scan3A_82 to %scan3A_84 step %scan3A_85  : i32 {
        %mul3A_186 = arith.constant 2 : i32
        %mul3A_187 = arith.muli %scan3A_185, %mul3A_186 : i32
        %add3A_188 = arith.constant 0 : i32
        %add3A_189 = arith.addi %mul3A_187, %add3A_188 : i32
        %add3A_190 = arith.constant 0 : i32
        %add3A_191 = arith.addi %add3A_190, %add3A_189 : i32
        %get3A = arith.index_cast %add3A_191 : i32 to index
        %get3A_192 = arith.constant 0 : index
        %get3A_193 = tpu.vector_load %arg7[%get3A, %get3A_192] {strides = array<i32>} : memref<200x128xf32, #tpu.memory_space<vmem>>, vector<1x16xf32>,
        %get3A_194 = vector.shape_cast %get3A_193 : vector<1x16xf32> to vector<16xf32>
        %mul3A_195 = arith.constant 11.3137083 : f32
        %mul3A_196 = vector.broadcast %mul3A_195 : f32 to vector<16xf32>
        %mul3A_197 = arith.mulf %get3A_194, %mul3A_196 : vector<16xf32>
        %add3A_198 = arith.constant 0 : i32
        %add3A_199 = arith.addi %add3A_198, %add3A_189 : i32
        %get3A_200 = arith.index_cast %add3A_199 : i32 to index
        %get3A_201 = arith.constant 0 : index
        %get3A_202 = tpu.vector_load %arg11[%get3A_200, %get3A_201] {strides = array<i32>} : memref<200x128xf32, #tpu.memory_space<vmem>>, vector<1x16xf32>,
        %get3A_203 = vector.shape_cast %get3A_202 : vector<1x16xf32> to vector<16xf32>
        %add3A_204 = arith.addf %mul3A_197, %get3A_203 : vector<16xf32>
        %swap3A = arith.index_cast %add3A_189 : i32 to index
        %swap3A_205 = arith.constant 0 : index
        %swap3A_206 = tpu.vector_load %arg9[%swap3A, %swap3A_205] {strides = array<i32>} : memref<104x128xf32, #tpu.memory_space<vmem>>, vector<1x16xf32>,
        %swap3A_207 = vector.shape_cast %swap3A_206 : vector<1x16xf32> to vector<16xf32>
        %swap3A_208 = vector.shape_cast %add3A_204 : vector<16xf32> to vector<1x16xf32>
        tpu.vector_store %arg9[%swap3A, %swap3A_205], %swap3A_208 {strides = array<i32>} : memref<104x128xf32, #tpu.memory_space<vmem>>, vector<1x16xf32>,
        %add3A_209 = arith.constant 0 : i32
        %add3A_210 = arith.addi %add3A_209, %add3A_189 : i32
        %get3A_211 = arith.index_cast %add3A_210 : i32 to index
        %get3A_212 = arith.constant 16 : index
        %get3A_213 = tpu.vector_load %arg7[%get3A_211, %get3A_212] {strides = array<i32>} : memref<200x128xf32, #tpu.memory_space<vmem>>, vector<1x16xf32>,
        %get3A_214 = vector.shape_cast %get3A_213 : vector<1x16xf32> to vector<16xf32>
        %mul3A_215 = arith.constant 11.3137083 : f32
        %mul3A_216 = vector.broadcast %mul3A_215 : f32 to vector<16xf32>
        %mul3A_217 = arith.mulf %get3A_214, %mul3A_216 : vector<16xf32>
        %add3A_218 = arith.constant 0 : i32
        %add3A_219 = arith.addi %add3A_218, %add3A_189 : i32
        %get3A_220 = arith.index_cast %add3A_219 : i32 to index
        %get3A_221 = arith.constant 16 : index
        %get3A_222 = tpu.vector_load %arg11[%get3A_220, %get3A_221] {strides = array<i32>} : memref<200x128xf32, #tpu.memory_space<vmem>>, vector<1x16xf32>,
        %get3A_223 = vector.shape_cast %get3A_222 : vector<1x16xf32> to vector<16xf32>
        %add3A_224 = arith.addf %mul3A_217, %get3A_223 : vector<16xf32>
        %swap3A_225 = arith.index_cast %add3A_189 : i32 to index
        %swap3A_226 = arith.constant 16 : index
        %swap3A_227 = tpu.vector_load %arg9[%swap3A_225, %swap3A_226] {strides = array<i32>} : memref<104x128xf32, #tpu.memory_space<vmem>>, vector<1x16xf32>,
        %swap3A_228 = vector.shape_cast %swap3A_227 : vector<1x16xf32> to vector<16xf32>
        %swap3A_229 = vector.shape_cast %add3A_224 : vector<16xf32> to vector<1x16xf32>
        tpu.vector_store %arg9[%swap3A_225, %swap3A_226], %swap3A_229 {strides = array<i32>} : memref<104x128xf32, #tpu.memory_space<vmem>>, vector<1x16xf32>,
        %add3A_230 = arith.constant 0 : i32
        %add3A_231 = arith.addi %add3A_230, %add3A_189 : i32
        %get3A_232 = arith.index_cast %add3A_231 : i32 to index
        %get3A_233 = arith.constant 32 : index
        %get3A_234 = tpu.vector_load %arg7[%get3A_232, %get3A_233] {strides = array<i32>} : memref<200x128xf32, #tpu.memory_space<vmem>>, vector<1x16xf32>,
        %get3A_235 = vector.shape_cast %get3A_234 : vector<1x16xf32> to vector<16xf32>
        %mul3A_236 = arith.constant 11.3137083 : f32
        %mul3A_237 = vector.broadcast %mul3A_236 : f32 to vector<16xf32>
        %mul3A_238 = arith.mulf %get3A_235, %mul3A_237 : vector<16xf32>
        %add3A_239 = arith.constant 0 : i32
        %add3A_240 = arith.addi %add3A_239, %add3A_189 : i32
        %get3A_241 = arith.index_cast %add3A_240 : i32 to index
        %get3A_242 = arith.constant 32 : index
        %get3A_243 = tpu.vector_load %arg11[%get3A_241, %get3A_242] {strides = array<i32>} : memref<200x128xf32, #tpu.memory_space<vmem>>, vector<1x16xf32>,
        %get3A_244 = vector.shape_cast %get3A_243 : vector<1x16xf32> to vector<16xf32>
        %add3A_245 = arith.addf %mul3A_238, %get3A_244 : vector<16xf32>
        %swap3A_246 = arith.index_cast %add3A_189 : i32 to index
        %swap3A_247 = arith.constant 32 : index
        %swap3A_248 = tpu.vector_load %arg9[%swap3A_246, %swap3A_247] {strides = array<i32>} : memref<104x128xf32, #tpu.memory_space<vmem>>, vector<1x16xf32>,
        %swap3A_249 = vector.shape_cast %swap3A_248 : vector<1x16xf32> to vector<16xf32>
        %swap3A_250 = vector.shape_cast %add3A_245 : vector<16xf32> to vector<1x16xf32>
        tpu.vector_store %arg9[%swap3A_246, %swap3A_247], %swap3A_250 {strides = array<i32>} : memref<104x128xf32, #tpu.memory_space<vmem>>, vector<1x16xf32>,
        %add3A_251 = arith.constant 0 : i32
        %add3A_252 = arith.addi %add3A_251, %add3A_189 : i32
        %get3A_253 = arith.index_cast %add3A_252 : i32 to index
        %get3A_254 = arith.constant 48 : index
        %get3A_255 = tpu.vector_load %arg7[%get3A_253, %get3A_254] {strides = array<i32>} : memref<200x128xf32, #tpu.memory_space<vmem>>, vector<1x16xf32>,
        %get3A_256 = vector.shape_cast %get3A_255 : vector<1x16xf32> to vector<16xf32>
        %mul3A_257 = arith.constant 11.3137083 : f32
        %mul3A_258 = vector.broadcast %mul3A_257 : f32 to vector<16xf32>
        %mul3A_259 = arith.mulf %get3A_256, %mul3A_258 : vector<16xf32>
        %add3A_260 = arith.constant 0 : i32
        %add3A_261 = arith.addi %add3A_260, %add3A_189 : i32
        %get3A_262 = arith.index_cast %add3A_261 : i32 to index
        %get3A_263 = arith.constant 48 : index
        %get3A_264 = tpu.vector_load %arg11[%get3A_262, %get3A_263] {strides = array<i32>} : memref<200x128xf32, #tpu.memory_space<vmem>>, vector<1x16xf32>,
        %get3A_265 = vector.shape_cast %get3A_264 : vector<1x16xf32> to vector<16xf32>
        %add3A_266 = arith.addf %mul3A_259, %get3A_265 : vector<16xf32>
        %swap3A_267 = arith.index_cast %add3A_189 : i32 to index
        %swap3A_268 = arith.constant 48 : index
        %swap3A_269 = tpu.vector_load %arg9[%swap3A_267, %swap3A_268] {strides = array<i32>} : memref<104x128xf32, #tpu.memory_space<vmem>>, vector<1x16xf32>,
        %swap3A_270 = vector.shape_cast %swap3A_269 : vector<1x16xf32> to vector<16xf32>
        %swap3A_271 = vector.shape_cast %add3A_266 : vector<16xf32> to vector<1x16xf32>
        tpu.vector_store %arg9[%swap3A_267, %swap3A_268], %swap3A_271 {strides = array<i32>} : memref<104x128xf32, #tpu.memory_space<vmem>>, vector<1x16xf32>,
        %add3A_272 = arith.constant 0 : i32
        %add3A_273 = arith.addi %add3A_272, %add3A_189 : i32
        %get3A_274 = arith.index_cast %add3A_273 : i32 to index
        %get3A_275 = arith.constant 64 : index
        %get3A_276 = tpu.vector_load %arg7[%get3A_274, %get3A_275] {strides = array<i32>} : memref<200x128xf32, #tpu.memory_space<vmem>>, vector<1x16xf32>,
        %get3A_277 = vector.shape_cast %get3A_276 : vector<1x16xf32> to vector<16xf32>
        %mul3A_278 = arith.constant 11.3137083 : f32
        %mul3A_279 = vector.broadcast %mul3A_278 : f32 to vector<16xf32>
        %mul3A_280 = arith.mulf %get3A_277, %mul3A_279 : vector<16xf32>
        %add3A_281 = arith.constant 0 : i32
        %add3A_282 = arith.addi %add3A_281, %add3A_189 : i32
        %get3A_283 = arith.index_cast %add3A_282 : i32 to index
        %get3A_284 = arith.constant 64 : index
        %get3A_285 = tpu.vector_load %arg11[%get3A_283, %get3A_284] {strides = array<i32>} : memref<200x128xf32, #tpu.memory_space<vmem>>, vector<1x16xf32>,
        %get3A_286 = vector.shape_cast %get3A_285 : vector<1x16xf32> to vector<16xf32>
        %add3A_287 = arith.addf %mul3A_280, %get3A_286 : vector<16xf32>
        %swap3A_288 = arith.index_cast %add3A_189 : i32 to index
        %swap3A_289 = arith.constant 64 : index
        %swap3A_290 = tpu.vector_load %arg9[%swap3A_288, %swap3A_289] {strides = array<i32>} : memref<104x128xf32, #tpu.memory_space<vmem>>, vector<1x16xf32>,
        %swap3A_291 = vector.shape_cast %swap3A_290 : vector<1x16xf32> to vector<16xf32>
        %swap3A_292 = vector.shape_cast %add3A_287 : vector<16xf32> to vector<1x16xf32>
        tpu.vector_store %arg9[%swap3A_288, %swap3A_289], %swap3A_292 {strides = array<i32>} : memref<104x128xf32, #tpu.memory_space<vmem>>, vector<1x16xf32>,
        %add3A_293 = arith.constant 0 : i32
        %add3A_294 = arith.addi %add3A_293, %add3A_189 : i32
        %get3A_295 = arith.index_cast %add3A_294 : i32 to index
        %get3A_296 = arith.constant 80 : index
        %get3A_297 = tpu.vector_load %arg7[%get3A_295, %get3A_296] {strides = array<i32>} : memref<200x128xf32, #tpu.memory_space<vmem>>, vector<1x16xf32>,
        %get3A_298 = vector.shape_cast %get3A_297 : vector<1x16xf32> to vector<16xf32>
        %mul3A_299 = arith.constant 11.3137083 : f32
        %mul3A_300 = vector.broadcast %mul3A_299 : f32 to vector<16xf32>
        %mul3A_301 = arith.mulf %get3A_298, %mul3A_300 : vector<16xf32>
        %add3A_302 = arith.constant 0 : i32
        %add3A_303 = arith.addi %add3A_302, %add3A_189 : i32
        %get3A_304 = arith.index_cast %add3A_303 : i32 to index
        %get3A_305 = arith.constant 80 : index
        %get3A_306 = tpu.vector_load %arg11[%get3A_304, %get3A_305] {strides = array<i32>} : memref<200x128xf32, #tpu.memory_space<vmem>>, vector<1x16xf32>,
        %get3A_307 = vector.shape_cast %get3A_306 : vector<1x16xf32> to vector<16xf32>
        %add3A_308 = arith.addf %mul3A_301, %get3A_307 : vector<16xf32>
        %swap3A_309 = arith.index_cast %add3A_189 : i32 to index
        %swap3A_310 = arith.constant 80 : index
        %swap3A_311 = tpu.vector_load %arg9[%swap3A_309, %swap3A_310] {strides = array<i32>} : memref<104x128xf32, #tpu.memory_space<vmem>>, vector<1x16xf32>,
        %swap3A_312 = vector.shape_cast %swap3A_311 : vector<1x16xf32> to vector<16xf32>
        %swap3A_313 = vector.shape_cast %add3A_308 : vector<16xf32> to vector<1x16xf32>
        tpu.vector_store %arg9[%swap3A_309, %swap3A_310], %swap3A_313 {strides = array<i32>} : memref<104x128xf32, #tpu.memory_space<vmem>>, vector<1x16xf32>,
        %add3A_314 = arith.constant 0 : i32
        %add3A_315 = arith.addi %add3A_314, %add3A_189 : i32
        %get3A_316 = arith.index_cast %add3A_315 : i32 to index
        %get3A_317 = arith.constant 96 : index
        %get3A_318 = tpu.vector_load %arg7[%get3A_316, %get3A_317] {strides = array<i32>} : memref<200x128xf32, #tpu.memory_space<vmem>>, vector<1x16xf32>,
        %get3A_319 = vector.shape_cast %get3A_318 : vector<1x16xf32> to vector<16xf32>
        %mul3A_320 = arith.constant 11.3137083 : f32
        %mul3A_321 = vector.broadcast %mul3A_320 : f32 to vector<16xf32>
        %mul3A_322 = arith.mulf %get3A_319, %mul3A_321 : vector<16xf32>
        %add3A_323 = arith.constant 0 : i32
        %add3A_324 = arith.addi %add3A_323, %add3A_189 : i32
        %get3A_325 = arith.index_cast %add3A_324 : i32 to index
        %get3A_326 = arith.constant 96 : index
        %get3A_327 = tpu.vector_load %arg11[%get3A_325, %get3A_326] {strides = array<i32>} : memref<200x128xf32, #tpu.memory_space<vmem>>, vector<1x16xf32>,
        %get3A_328 = vector.shape_cast %get3A_327 : vector<1x16xf32> to vector<16xf32>
        %add3A_329 = arith.addf %mul3A_322, %get3A_328 : vector<16xf32>
        %swap3A_330 = arith.index_cast %add3A_189 : i32 to index
        %swap3A_331 = arith.constant 96 : index
        %swap3A_332 = tpu.vector_load %arg9[%swap3A_330, %swap3A_331] {strides = array<i32>} : memref<104x128xf32, #tpu.memory_space<vmem>>, vector<1x16xf32>,
        %swap3A_333 = vector.shape_cast %swap3A_332 : vector<1x16xf32> to vector<16xf32>
        %swap3A_334 = vector.shape_cast %add3A_329 : vector<16xf32> to vector<1x16xf32>
        tpu.vector_store %arg9[%swap3A_330, %swap3A_331], %swap3A_334 {strides = array<i32>} : memref<104x128xf32, #tpu.memory_space<vmem>>, vector<1x16xf32>,
        %add3A_335 = arith.constant 0 : i32
        %add3A_336 = arith.addi %add3A_335, %add3A_189 : i32
        %get3A_337 = arith.index_cast %add3A_336 : i32 to index
        %get3A_338 = arith.constant 112 : index
        %get3A_339 = tpu.vector_load %arg7[%get3A_337, %get3A_338] {strides = array<i32>} : memref<200x128xf32, #tpu.memory_space<vmem>>, vector<1x16xf32>,
        %get3A_340 = vector.shape_cast %get3A_339 : vector<1x16xf32> to vector<16xf32>
        %mul3A_341 = arith.constant 11.3137083 : f32
        %mul3A_342 = vector.broadcast %mul3A_341 : f32 to vector<16xf32>
        %mul3A_343 = arith.mulf %get3A_340, %mul3A_342 : vector<16xf32>
        %add3A_344 = arith.constant 0 : i32
        %add3A_345 = arith.addi %add3A_344, %add3A_189 : i32
        %get3A_346 = arith.index_cast %add3A_345 : i32 to index
        %get3A_347 = arith.constant 112 : index
        %get3A_348 = tpu.vector_load %arg11[%get3A_346, %get3A_347] {strides = array<i32>} : memref<200x128xf32, #tpu.memory_space<vmem>>, vector<1x16xf32>,
        %get3A_349 = vector.shape_cast %get3A_348 : vector<1x16xf32> to vector<16xf32>
        %add3A_350 = arith.addf %mul3A_343, %get3A_349 : vector<16xf32>
        %swap3A_351 = arith.index_cast %add3A_189 : i32 to index
        %swap3A_352 = arith.constant 112 : index
        %swap3A_353 = tpu.vector_load %arg9[%swap3A_351, %swap3A_352] {strides = array<i32>} : memref<104x128xf32, #tpu.memory_space<vmem>>, vector<1x16xf32>,
        %swap3A_354 = vector.shape_cast %swap3A_353 : vector<1x16xf32> to vector<16xf32>
        %swap3A_355 = vector.shape_cast %add3A_350 : vector<16xf32> to vector<1x16xf32>
        tpu.vector_store %arg9[%swap3A_351, %swap3A_352], %swap3A_355 {strides = array<i32>} : memref<104x128xf32, #tpu.memory_space<vmem>>, vector<1x16xf32>,
        %mul3A_356 = arith.constant 2 : i32
        %mul3A_357 = arith.muli %scan3A_185, %mul3A_356 : i32
        %add3A_358 = arith.constant 1 : i32
        %add3A_359 = arith.addi %mul3A_357, %add3A_358 : i32
        %add3A_360 = arith.constant 0 : i32
        %add3A_361 = arith.addi %add3A_360, %add3A_359 : i32
        %get3A_362 = arith.index_cast %add3A_361 : i32 to index
        %get3A_363 = arith.constant 0 : index
        %get3A_364 = tpu.vector_load %arg7[%get3A_362, %get3A_363] {strides = array<i32>} : memref<200x128xf32, #tpu.memory_space<vmem>>, vector<1x16xf32>,
        %get3A_365 = vector.shape_cast %get3A_364 : vector<1x16xf32> to vector<16xf32>
        %mul3A_366 = arith.constant 11.3137083 : f32
        %mul3A_367 = vector.broadcast %mul3A_366 : f32 to vector<16xf32>
        %mul3A_368 = arith.mulf %get3A_365, %mul3A_367 : vector<16xf32>
        %add3A_369 = arith.constant 0 : i32
        %add3A_370 = arith.addi %add3A_369, %add3A_359 : i32
        %get3A_371 = arith.index_cast %add3A_370 : i32 to index
        %get3A_372 = arith.constant 0 : index
        %get3A_373 = tpu.vector_load %arg11[%get3A_371, %get3A_372] {strides = array<i32>} : memref<200x128xf32, #tpu.memory_space<vmem>>, vector<1x16xf32>,
        %get3A_374 = vector.shape_cast %get3A_373 : vector<1x16xf32> to vector<16xf32>
        %add3A_375 = arith.addf %mul3A_368, %get3A_374 : vector<16xf32>
        %swap3A_376 = arith.index_cast %add3A_359 : i32 to index
        %swap3A_377 = arith.constant 0 : index
        %swap3A_378 = tpu.vector_load %arg9[%swap3A_376, %swap3A_377] {strides = array<i32>} : memref<104x128xf32, #tpu.memory_space<vmem>>, vector<1x16xf32>,
        %swap3A_379 = vector.shape_cast %swap3A_378 : vector<1x16xf32> to vector<16xf32>
        %swap3A_380 = vector.shape_cast %add3A_375 : vector<16xf32> to vector<1x16xf32>
        tpu.vector_store %arg9[%swap3A_376, %swap3A_377], %swap3A_380 {strides = array<i32>} : memref<104x128xf32, #tpu.memory_space<vmem>>, vector<1x16xf32>,
        %add3A_381 = arith.constant 0 : i32
        %add3A_382 = arith.addi %add3A_381, %add3A_359 : i32
        %get3A_383 = arith.index_cast %add3A_382 : i32 to index
        %get3A_384 = arith.constant 16 : index
        %get3A_385 = tpu.vector_load %arg7[%get3A_383, %get3A_384] {strides = array<i32>} : memref<200x128xf32, #tpu.memory_space<vmem>>, vector<1x16xf32>,
        %get3A_386 = vector.shape_cast %get3A_385 : vector<1x16xf32> to vector<16xf32>
        %mul3A_387 = arith.constant 11.3137083 : f32
        %mul3A_388 = vector.broadcast %mul3A_387 : f32 to vector<16xf32>
        %mul3A_389 = arith.mulf %get3A_386, %mul3A_388 : vector<16xf32>
        %add3A_390 = arith.constant 0 : i32
        %add3A_391 = arith.addi %add3A_390, %add3A_359 : i32
        %get3A_392 = arith.index_cast %add3A_391 : i32 to index
        %get3A_393 = arith.constant 16 : index
        %get3A_394 = tpu.vector_load %arg11[%get3A_392, %get3A_393] {strides = array<i32>} : memref<200x128xf32, #tpu.memory_space<vmem>>, vector<1x16xf32>,
        %get3A_395 = vector.shape_cast %get3A_394 : vector<1x16xf32> to vector<16xf32>
        %add3A_396 = arith.addf %mul3A_389, %get3A_395 : vector<16xf32>
        %swap3A_397 = arith.index_cast %add3A_359 : i32 to index
        %swap3A_398 = arith.constant 16 : index
        %swap3A_399 = tpu.vector_load %arg9[%swap3A_397, %swap3A_398] {strides = array<i32>} : memref<104x128xf32, #tpu.memory_space<vmem>>, vector<1x16xf32>,
        %swap3A_400 = vector.shape_cast %swap3A_399 : vector<1x16xf32> to vector<16xf32>
        %swap3A_401 = vector.shape_cast %add3A_396 : vector<16xf32> to vector<1x16xf32>
        tpu.vector_store %arg9[%swap3A_397, %swap3A_398], %swap3A_401 {strides = array<i32>} : memref<104x128xf32, #tpu.memory_space<vmem>>, vector<1x16xf32>,
        %add3A_402 = arith.constant 0 : i32
        %add3A_403 = arith.addi %add3A_402, %add3A_359 : i32
        %get3A_404 = arith.index_cast %add3A_403 : i32 to index
        %get3A_405 = arith.constant 32 : index
        %get3A_406 = tpu.vector_load %arg7[%get3A_404, %get3A_405] {strides = array<i32>} : memref<200x128xf32, #tpu.memory_space<vmem>>, vector<1x16xf32>,
        %get3A_407 = vector.shape_cast %get3A_406 : vector<1x16xf32> to vector<16xf32>
        %mul3A_408 = arith.constant 11.3137083 : f32
        %mul3A_409 = vector.broadcast %mul3A_408 : f32 to vector<16xf32>
        %mul3A_410 = arith.mulf %get3A_407, %mul3A_409 : vector<16xf32>
        %add3A_411 = arith.constant 0 : i32
        %add3A_412 = arith.addi %add3A_411, %add3A_359 : i32
        %get3A_413 = arith.index_cast %add3A_412 : i32 to index
        %get3A_414 = arith.constant 32 : index
        %get3A_415 = tpu.vector_load %arg11[%get3A_413, %get3A_414] {strides = array<i32>} : memref<200x128xf32, #tpu.memory_space<vmem>>, vector<1x16xf32>,
        %get3A_416 = vector.shape_cast %get3A_415 : vector<1x16xf32> to vector<16xf32>
        %add3A_417 = arith.addf %mul3A_410, %get3A_416 : vector<16xf32>
        %swap3A_418 = arith.index_cast %add3A_359 : i32 to index
        %swap3A_419 = arith.constant 32 : index
        %swap3A_420 = tpu.vector_load %arg9[%swap3A_418, %swap3A_419] {strides = array<i32>} : memref<104x128xf32, #tpu.memory_space<vmem>>, vector<1x16xf32>,
        %swap3A_421 = vector.shape_cast %swap3A_420 : vector<1x16xf32> to vector<16xf32>
        %swap3A_422 = vector.shape_cast %add3A_417 : vector<16xf32> to vector<1x16xf32>
        tpu.vector_store %arg9[%swap3A_418, %swap3A_419], %swap3A_422 {strides = array<i32>} : memref<104x128xf32, #tpu.memory_space<vmem>>, vector<1x16xf32>,
        %add3A_423 = arith.constant 0 : i32
        %add3A_424 = arith.addi %add3A_423, %add3A_359 : i32
        %get3A_425 = arith.index_cast %add3A_424 : i32 to index
        %get3A_426 = arith.constant 48 : index
        %get3A_427 = tpu.vector_load %arg7[%get3A_425, %get3A_426] {strides = array<i32>} : memref<200x128xf32, #tpu.memory_space<vmem>>, vector<1x16xf32>,
        %get3A_428 = vector.shape_cast %get3A_427 : vector<1x16xf32> to vector<16xf32>
        %mul3A_429 = arith.constant 11.3137083 : f32
        %mul3A_430 = vector.broadcast %mul3A_429 : f32 to vector<16xf32>
        %mul3A_431 = arith.mulf %get3A_428, %mul3A_430 : vector<16xf32>
        %add3A_432 = arith.constant 0 : i32
        %add3A_433 = arith.addi %add3A_432, %add3A_359 : i32
        %get3A_434 = arith.index_cast %add3A_433 : i32 to index
        %get3A_435 = arith.constant 48 : index
        %get3A_436 = tpu.vector_load %arg11[%get3A_434, %get3A_435] {strides = array<i32>} : memref<200x128xf32, #tpu.memory_space<vmem>>, vector<1x16xf32>,
        %get3A_437 = vector.shape_cast %get3A_436 : vector<1x16xf32> to vector<16xf32>
        %add3A_438 = arith.addf %mul3A_431, %get3A_437 : vector<16xf32>
        %swap3A_439 = arith.index_cast %add3A_359 : i32 to index
        %swap3A_440 = arith.constant 48 : index
        %swap3A_441 = tpu.vector_load %arg9[%swap3A_439, %swap3A_440] {strides = array<i32>} : memref<104x128xf32, #tpu.memory_space<vmem>>, vector<1x16xf32>,
        %swap3A_442 = vector.shape_cast %swap3A_441 : vector<1x16xf32> to vector<16xf32>
        %swap3A_443 = vector.shape_cast %add3A_438 : vector<16xf32> to vector<1x16xf32>
        tpu.vector_store %arg9[%swap3A_439, %swap3A_440], %swap3A_443 {strides = array<i32>} : memref<104x128xf32, #tpu.memory_space<vmem>>, vector<1x16xf32>,
        %add3A_444 = arith.constant 0 : i32
        %add3A_445 = arith.addi %add3A_444, %add3A_359 : i32
        %get3A_446 = arith.index_cast %add3A_445 : i32 to index
        %get3A_447 = arith.constant 64 : index
        %get3A_448 = tpu.vector_load %arg7[%get3A_446, %get3A_447] {strides = array<i32>} : memref<200x128xf32, #tpu.memory_space<vmem>>, vector<1x16xf32>,
        %get3A_449 = vector.shape_cast %get3A_448 : vector<1x16xf32> to vector<16xf32>
        %mul3A_450 = arith.constant 11.3137083 : f32
        %mul3A_451 = vector.broadcast %mul3A_450 : f32 to vector<16xf32>
        %mul3A_452 = arith.mulf %get3A_449, %mul3A_451 : vector<16xf32>
        %add3A_453 = arith.constant 0 : i32
        %add3A_454 = arith.addi %add3A_453, %add3A_359 : i32
        %get3A_455 = arith.index_cast %add3A_454 : i32 to index
        %get3A_456 = arith.constant 64 : index
        %get3A_457 = tpu.vector_load %arg11[%get3A_455, %get3A_456] {strides = array<i32>} : memref<200x128xf32, #tpu.memory_space<vmem>>, vector<1x16xf32>,
        %get3A_458 = vector.shape_cast %get3A_457 : vector<1x16xf32> to vector<16xf32>
        %add3A_459 = arith.addf %mul3A_452, %get3A_458 : vector<16xf32>
        %swap3A_460 = arith.index_cast %add3A_359 : i32 to index
        %swap3A_461 = arith.constant 64 : index
        %swap3A_462 = tpu.vector_load %arg9[%swap3A_460, %swap3A_461] {strides = array<i32>} : memref<104x128xf32, #tpu.memory_space<vmem>>, vector<1x16xf32>,
        %swap3A_463 = vector.shape_cast %swap3A_462 : vector<1x16xf32> to vector<16xf32>
        %swap3A_464 = vector.shape_cast %add3A_459 : vector<16xf32> to vector<1x16xf32>
        tpu.vector_store %arg9[%swap3A_460, %swap3A_461], %swap3A_464 {strides = array<i32>} : memref<104x128xf32, #tpu.memory_space<vmem>>, vector<1x16xf32>,
        %add3A_465 = arith.constant 0 : i32
        %add3A_466 = arith.addi %add3A_465, %add3A_359 : i32
        %get3A_467 = arith.index_cast %add3A_466 : i32 to index
        %get3A_468 = arith.constant 80 : index
        %get3A_469 = tpu.vector_load %arg7[%get3A_467, %get3A_468] {strides = array<i32>} : memref<200x128xf32, #tpu.memory_space<vmem>>, vector<1x16xf32>,
        %get3A_470 = vector.shape_cast %get3A_469 : vector<1x16xf32> to vector<16xf32>
        %mul3A_471 = arith.constant 11.3137083 : f32
        %mul3A_472 = vector.broadcast %mul3A_471 : f32 to vector<16xf32>
        %mul3A_473 = arith.mulf %get3A_470, %mul3A_472 : vector<16xf32>
        %add3A_474 = arith.constant 0 : i32
        %add3A_475 = arith.addi %add3A_474, %add3A_359 : i32
        %get3A_476 = arith.index_cast %add3A_475 : i32 to index
        %get3A_477 = arith.constant 80 : index
        %get3A_478 = tpu.vector_load %arg11[%get3A_476, %get3A_477] {strides = array<i32>} : memref<200x128xf32, #tpu.memory_space<vmem>>, vector<1x16xf32>,
        %get3A_479 = vector.shape_cast %get3A_478 : vector<1x16xf32> to vector<16xf32>
        %add3A_480 = arith.addf %mul3A_473, %get3A_479 : vector<16xf32>
        %swap3A_481 = arith.index_cast %add3A_359 : i32 to index
        %swap3A_482 = arith.constant 80 : index
        %swap3A_483 = tpu.vector_load %arg9[%swap3A_481, %swap3A_482] {strides = array<i32>} : memref<104x128xf32, #tpu.memory_space<vmem>>, vector<1x16xf32>,
        %swap3A_484 = vector.shape_cast %swap3A_483 : vector<1x16xf32> to vector<16xf32>
        %swap3A_485 = vector.shape_cast %add3A_480 : vector<16xf32> to vector<1x16xf32>
        tpu.vector_store %arg9[%swap3A_481, %swap3A_482], %swap3A_485 {strides = array<i32>} : memref<104x128xf32, #tpu.memory_space<vmem>>, vector<1x16xf32>,
        %add3A_486 = arith.constant 0 : i32
        %add3A_487 = arith.addi %add3A_486, %add3A_359 : i32
        %get3A_488 = arith.index_cast %add3A_487 : i32 to index
        %get3A_489 = arith.constant 96 : index
        %get3A_490 = tpu.vector_load %arg7[%get3A_488, %get3A_489] {strides = array<i32>} : memref<200x128xf32, #tpu.memory_space<vmem>>, vector<1x16xf32>,
        %get3A_491 = vector.shape_cast %get3A_490 : vector<1x16xf32> to vector<16xf32>
        %mul3A_492 = arith.constant 11.3137083 : f32
        %mul3A_493 = vector.broadcast %mul3A_492 : f32 to vector<16xf32>
        %mul3A_494 = arith.mulf %get3A_491, %mul3A_493 : vector<16xf32>
        %add3A_495 = arith.constant 0 : i32
        %add3A_496 = arith.addi %add3A_495, %add3A_359 : i32
        %get3A_497 = arith.index_cast %add3A_496 : i32 to index
        %get3A_498 = arith.constant 96 : index
        %get3A_499 = tpu.vector_load %arg11[%get3A_497, %get3A_498] {strides = array<i32>} : memref<200x128xf32, #tpu.memory_space<vmem>>, vector<1x16xf32>,
        %get3A_500 = vector.shape_cast %get3A_499 : vector<1x16xf32> to vector<16xf32>
        %add3A_501 = arith.addf %mul3A_494, %get3A_500 : vector<16xf32>
        %swap3A_502 = arith.index_cast %add3A_359 : i32 to index
        %swap3A_503 = arith.constant 96 : index
        %swap3A_504 = tpu.vector_load %arg9[%swap3A_502, %swap3A_503] {strides = array<i32>} : memref<104x128xf32, #tpu.memory_space<vmem>>, vector<1x16xf32>,
        %swap3A_505 = vector.shape_cast %swap3A_504 : vector<1x16xf32> to vector<16xf32>
        %swap3A_506 = vector.shape_cast %add3A_501 : vector<16xf32> to vector<1x16xf32>
        tpu.vector_store %arg9[%swap3A_502, %swap3A_503], %swap3A_506 {strides = array<i32>} : memref<104x128xf32, #tpu.memory_space<vmem>>, vector<1x16xf32>,
        %add3A_507 = arith.constant 0 : i32
        %add3A_508 = arith.addi %add3A_507, %add3A_359 : i32
        %get3A_509 = arith.index_cast %add3A_508 : i32 to index
        %get3A_510 = arith.constant 112 : index
        %get3A_511 = tpu.vector_load %arg7[%get3A_509, %get3A_510] {strides = array<i32>} : memref<200x128xf32, #tpu.memory_space<vmem>>, vector<1x16xf32>,
        %get3A_512 = vector.shape_cast %get3A_511 : vector<1x16xf32> to vector<16xf32>
        %mul3A_513 = arith.constant 11.3137083 : f32
        %mul3A_514 = vector.broadcast %mul3A_513 : f32 to vector<16xf32>
        %mul3A_515 = arith.mulf %get3A_512, %mul3A_514 : vector<16xf32>
        %add3A_516 = arith.constant 0 : i32
        %add3A_517 = arith.addi %add3A_516, %add3A_359 : i32
        %get3A_518 = arith.index_cast %add3A_517 : i32 to index
        %get3A_519 = arith.constant 112 : index
        %get3A_520 = tpu.vector_load %arg11[%get3A_518, %get3A_519] {strides = array<i32>} : memref<200x128xf32, #tpu.memory_space<vmem>>, vector<1x16xf32>,
        %get3A_521 = vector.shape_cast %get3A_520 : vector<1x16xf32> to vector<16xf32>
        %add3A_522 = arith.addf %mul3A_515, %get3A_521 : vector<16xf32>
        %swap3A_523 = arith.index_cast %add3A_359 : i32 to index
        %swap3A_524 = arith.constant 112 : index
        %swap3A_525 = tpu.vector_load %arg9[%swap3A_523, %swap3A_524] {strides = array<i32>} : memref<104x128xf32, #tpu.memory_space<vmem>>, vector<1x16xf32>,
        %swap3A_526 = vector.shape_cast %swap3A_525 : vector<1x16xf32> to vector<16xf32>
        %swap3A_527 = vector.shape_cast %add3A_522 : vector<16xf32> to vector<1x16xf32>
        tpu.vector_store %arg9[%swap3A_523, %swap3A_524], %swap3A_527 {strides = array<i32>} : memref<104x128xf32, #tpu.memory_space<vmem>>, vector<1x16xf32>,
      }
      %scan3A_86 = arith.constant 52 : i32
      %add3A_87 = arith.addi %mul3A_2, %add3A_72 : i32
      %dma_start3A_88 = arith.constant 0 : i32
      %dma_start3A_89 = arith.constant 0 : i32
      %dma_start3A_90 = tpu.memref_slice %arg5[%add3A_87, %dma_start3A_88, %dma_start3A_89] : memref<1024x200x128xf32, #tpu.memory_space<hbm>> -> memref<1x104x128xf32, #tpu.memory_space<hbm>>
      %dma_start3A_91 = tpu.memref_squeeze %dma_start3A_90 : memref<1x104x128xf32, #tpu.memory_space<hbm>> -> memref<104x128xf32, #tpu.memory_space<hbm>>
      %dma_start3A_92 = arith.constant 0 : i32
      %dma_start3A_93 = arith.constant 0 : i32
      %dma_start3A_94 = tpu.memref_slice %arg5[%add3A_87, %dma_start3A_92, %dma_start3A_93] : memref<1024x200x128xf32, #tpu.memory_space<hbm>> -> memref<1x104x128xf32, #tpu.memory_space<hbm>>
      %dma_start3A_95 = tpu.memref_squeeze %dma_start3A_94 : memref<1x104x128xf32, #tpu.memory_space<hbm>> -> memref<104x128xf32, #tpu.memory_space<hbm>>
      tpu.enqueue_dma source(%arg9 : memref<104x128xf32, #tpu.memory_space<vmem>>) target(%dma_start3A_95 : memref<104x128xf32, #tpu.memory_space<hbm>>) target_semaphore(%arg14 : memref<!tpu.dma_semaphore, #tpu.memory_space<semaphore_mem>>)
      %lt3A = arith.constant 15 : i32
      %lt3A_96 = arith.cmpi slt, %scan3A_68, %lt3A : i32
      %convert_element_type3A_97 = arith.extui %lt3A_96 : i1 to i32
      %cond3A_98 = arith.constant 0 : i32
      %cond3A_99 = arith.cmpi ne, %convert_element_type3A_97, %cond3A_98 : i32
      scf.if %cond3A_99 {
        %add3A_185 = arith.constant 2 : i32
        %add3A_186 = arith.addi %add3A_72, %add3A_185 : i32
        %dma_start3A_187 = arith.constant 0 : i32
        %dma_start3A_188 = arith.constant 0 : i32
        %dma_start3A_189 = arith.constant 0 : i32
        %dma_start3A_190 = tpu.memref_slice %arg7[%dma_start3A_188, %dma_start3A_189] : memref<200x128xf32, #tpu.memory_space<vmem>> -> memref<100x128xf32, #tpu.memory_space<vmem>>
        %dma_start3A_191 = arith.constant 0 : i32
        %dma_start3A_192 = tpu.memref_slice %arg6[%add3A_186, %dma_start3A_187, %dma_start3A_191] : memref<32x2x100xi32, #tpu.memory_space<vmem>> -> memref<1x1x100xi32, #tpu.memory_space<vmem>>
        %dma_start3A_193 = tpu.memref_squeeze %dma_start3A_192 : memref<1x1x100xi32, #tpu.memory_space<vmem>> -> memref<100xi32, #tpu.memory_space<vmem>>
        %dma_start3A_194 = arith.constant 0 : i32
        %dma_start3A_195 = arith.constant 0 : i32
        %dma_start3A_196 = tpu.memref_slice %arg4[%dma_start3A_194, %dma_start3A_195] : memref<100000x128xf32, #tpu.memory_space<hbm>> -> memref<100000x128xf32, #tpu.memory_space<hbm>>
        tpu.enqueue_indirect_dma source(%dma_start3A_196 : memref<100000x128xf32, #tpu.memory_space<hbm>>) target(%dma_start3A_190 : memref<100x128xf32, #tpu.memory_space<vmem>>) offsets(%dma_start3A_193 : memref<100xi32, #tpu.memory_space<vmem>>) semaphore(%arg12 : memref<!tpu.dma_semaphore, #tpu.memory_space<semaphore_mem>>)
      } else {
      }
      %gt3A_100 = arith.constant 0 : i32
      %gt3A_101 = arith.cmpi sgt, %add3A_72, %gt3A_100 : i32
      %convert_element_type3A_102 = arith.extui %gt3A_101 : i1 to i32
      %cond3A_103 = arith.constant 0 : i32
      %cond3A_104 = arith.cmpi ne, %convert_element_type3A_102, %cond3A_103 : i32
      scf.if %cond3A_104 {
        %dma_wait3A_185 = arith.constant 0 : i32
        %dma_wait3A_186 = arith.constant 104 : i32
        %dma_wait3A_187 = arith.constant 0 : i32
        %dma_wait3A_188 = tpu.memref_slice %arg5[%dma_wait3A_185, %dma_wait3A_186, %dma_wait3A_187] : memref<1024x200x128xf32, #tpu.memory_space<hbm>> -> memref<1x96x128xf32, #tpu.memory_space<hbm>>
        %dma_wait3A_189 = tpu.memref_squeeze %dma_wait3A_188 : memref<1x96x128xf32, #tpu.memory_space<hbm>> -> memref<96x128xf32, #tpu.memory_space<hbm>>
        %dma_wait3A_190 = arith.constant 104 : i32
        %dma_wait3A_191 = arith.constant 0 : i32
        %dma_wait3A_192 = tpu.memref_slice %arg5[%dma_wait3A_185, %dma_wait3A_190, %dma_wait3A_191] : memref<1024x200x128xf32, #tpu.memory_space<hbm>> -> memref<1x96x128xf32, #tpu.memory_space<hbm>>
        %dma_wait3A_193 = tpu.memref_squeeze %dma_wait3A_192 : memref<1x96x128xf32, #tpu.memory_space<hbm>> -> memref<96x128xf32, #tpu.memory_space<hbm>>
        tpu.wait_dma2 semaphore(%arg15 : memref<!tpu.dma_semaphore, #tpu.memory_space<semaphore_mem>>) src(%arg10 : memref<96x128xf32, #tpu.memory_space<vmem>>) dst(%dma_wait3A_193 : memref<96x128xf32, #tpu.memory_space<hbm>>)
      } else {
      }
      %scan3A_105 = arith.constant 0 : i32
      %scan3A_106 = arith.constant 0 : i32
      %scan3A_107 = arith.constant 48 : i32
      %scan3A_108 = arith.addi %scan3A_106, %scan3A_107 : i32
      %scan3A_109 = arith.constant 1 : i32
      scf.for %scan3A_185 = %scan3A_106 to %scan3A_108 step %scan3A_109  : i32 {
        %mul3A_186 = arith.constant 2 : i32
        %mul3A_187 = arith.muli %scan3A_185, %mul3A_186 : i32
        %add3A_188 = arith.constant 0 : i32
        %add3A_189 = arith.addi %mul3A_187, %add3A_188 : i32
        %add3A_190 = arith.constant 104 : i32
        %add3A_191 = arith.addi %add3A_190, %add3A_189 : i32
        %get3A = arith.index_cast %add3A_191 : i32 to index
        %get3A_192 = arith.constant 0 : index
        %get3A_193 = tpu.vector_load %arg7[%get3A, %get3A_192] {strides = array<i32>} : memref<200x128xf32, #tpu.memory_space<vmem>>, vector<1x16xf32>,
        %get3A_194 = vector.shape_cast %get3A_193 : vector<1x16xf32> to vector<16xf32>
        %mul3A_195 = arith.constant 11.3137083 : f32
        %mul3A_196 = vector.broadcast %mul3A_195 : f32 to vector<16xf32>
        %mul3A_197 = arith.mulf %get3A_194, %mul3A_196 : vector<16xf32>
        %add3A_198 = arith.constant 104 : i32
        %add3A_199 = arith.addi %add3A_198, %add3A_189 : i32
        %get3A_200 = arith.index_cast %add3A_199 : i32 to index
        %get3A_201 = arith.constant 0 : index
        %get3A_202 = tpu.vector_load %arg11[%get3A_200, %get3A_201] {strides = array<i32>} : memref<200x128xf32, #tpu.memory_space<vmem>>, vector<1x16xf32>,
        %get3A_203 = vector.shape_cast %get3A_202 : vector<1x16xf32> to vector<16xf32>
        %add3A_204 = arith.addf %mul3A_197, %get3A_203 : vector<16xf32>
        %swap3A = arith.index_cast %add3A_189 : i32 to index
        %swap3A_205 = arith.constant 0 : index
        %swap3A_206 = tpu.vector_load %arg10[%swap3A, %swap3A_205] {strides = array<i32>} : memref<96x128xf32, #tpu.memory_space<vmem>>, vector<1x16xf32>,
        %swap3A_207 = vector.shape_cast %swap3A_206 : vector<1x16xf32> to vector<16xf32>
        %swap3A_208 = vector.shape_cast %add3A_204 : vector<16xf32> to vector<1x16xf32>
        tpu.vector_store %arg10[%swap3A, %swap3A_205], %swap3A_208 {strides = array<i32>} : memref<96x128xf32, #tpu.memory_space<vmem>>, vector<1x16xf32>,
        %add3A_209 = arith.constant 104 : i32
        %add3A_210 = arith.addi %add3A_209, %add3A_189 : i32
        %get3A_211 = arith.index_cast %add3A_210 : i32 to index
        %get3A_212 = arith.constant 16 : index
        %get3A_213 = tpu.vector_load %arg7[%get3A_211, %get3A_212] {strides = array<i32>} : memref<200x128xf32, #tpu.memory_space<vmem>>, vector<1x16xf32>,
        %get3A_214 = vector.shape_cast %get3A_213 : vector<1x16xf32> to vector<16xf32>
        %mul3A_215 = arith.constant 11.3137083 : f32
        %mul3A_216 = vector.broadcast %mul3A_215 : f32 to vector<16xf32>
        %mul3A_217 = arith.mulf %get3A_214, %mul3A_216 : vector<16xf32>
        %add3A_218 = arith.constant 104 : i32
        %add3A_219 = arith.addi %add3A_218, %add3A_189 : i32
        %get3A_220 = arith.index_cast %add3A_219 : i32 to index
        %get3A_221 = arith.constant 16 : index
        %get3A_222 = tpu.vector_load %arg11[%get3A_220, %get3A_221] {strides = array<i32>} : memref<200x128xf32, #tpu.memory_space<vmem>>, vector<1x16xf32>,
        %get3A_223 = vector.shape_cast %get3A_222 : vector<1x16xf32> to vector<16xf32>
        %add3A_224 = arith.addf %mul3A_217, %get3A_223 : vector<16xf32>
        %swap3A_225 = arith.index_cast %add3A_189 : i32 to index
        %swap3A_226 = arith.constant 16 : index
        %swap3A_227 = tpu.vector_load %arg10[%swap3A_225, %swap3A_226] {strides = array<i32>} : memref<96x128xf32, #tpu.memory_space<vmem>>, vector<1x16xf32>,
        %swap3A_228 = vector.shape_cast %swap3A_227 : vector<1x16xf32> to vector<16xf32>
        %swap3A_229 = vector.shape_cast %add3A_224 : vector<16xf32> to vector<1x16xf32>
        tpu.vector_store %arg10[%swap3A_225, %swap3A_226], %swap3A_229 {strides = array<i32>} : memref<96x128xf32, #tpu.memory_space<vmem>>, vector<1x16xf32>,
        %add3A_230 = arith.constant 104 : i32
        %add3A_231 = arith.addi %add3A_230, %add3A_189 : i32
        %get3A_232 = arith.index_cast %add3A_231 : i32 to index
        %get3A_233 = arith.constant 32 : index
        %get3A_234 = tpu.vector_load %arg7[%get3A_232, %get3A_233] {strides = array<i32>} : memref<200x128xf32, #tpu.memory_space<vmem>>, vector<1x16xf32>,
        %get3A_235 = vector.shape_cast %get3A_234 : vector<1x16xf32> to vector<16xf32>
        %mul3A_236 = arith.constant 11.3137083 : f32
        %mul3A_237 = vector.broadcast %mul3A_236 : f32 to vector<16xf32>
        %mul3A_238 = arith.mulf %get3A_235, %mul3A_237 : vector<16xf32>
        %add3A_239 = arith.constant 104 : i32
        %add3A_240 = arith.addi %add3A_239, %add3A_189 : i32
        %get3A_241 = arith.index_cast %add3A_240 : i32 to index
        %get3A_242 = arith.constant 32 : index
        %get3A_243 = tpu.vector_load %arg11[%get3A_241, %get3A_242] {strides = array<i32>} : memref<200x128xf32, #tpu.memory_space<vmem>>, vector<1x16xf32>,
        %get3A_244 = vector.shape_cast %get3A_243 : vector<1x16xf32> to vector<16xf32>
        %add3A_245 = arith.addf %mul3A_238, %get3A_244 : vector<16xf32>
        %swap3A_246 = arith.index_cast %add3A_189 : i32 to index
        %swap3A_247 = arith.constant 32 : index
        %swap3A_248 = tpu.vector_load %arg10[%swap3A_246, %swap3A_247] {strides = array<i32>} : memref<96x128xf32, #tpu.memory_space<vmem>>, vector<1x16xf32>,
        %swap3A_249 = vector.shape_cast %swap3A_248 : vector<1x16xf32> to vector<16xf32>
        %swap3A_250 = vector.shape_cast %add3A_245 : vector<16xf32> to vector<1x16xf32>
        tpu.vector_store %arg10[%swap3A_246, %swap3A_247], %swap3A_250 {strides = array<i32>} : memref<96x128xf32, #tpu.memory_space<vmem>>, vector<1x16xf32>,
        %add3A_251 = arith.constant 104 : i32
        %add3A_252 = arith.addi %add3A_251, %add3A_189 : i32
        %get3A_253 = arith.index_cast %add3A_252 : i32 to index
        %get3A_254 = arith.constant 48 : index
        %get3A_255 = tpu.vector_load %arg7[%get3A_253, %get3A_254] {strides = array<i32>} : memref<200x128xf32, #tpu.memory_space<vmem>>, vector<1x16xf32>,
        %get3A_256 = vector.shape_cast %get3A_255 : vector<1x16xf32> to vector<16xf32>
        %mul3A_257 = arith.constant 11.3137083 : f32
        %mul3A_258 = vector.broadcast %mul3A_257 : f32 to vector<16xf32>
        %mul3A_259 = arith.mulf %get3A_256, %mul3A_258 : vector<16xf32>
        %add3A_260 = arith.constant 104 : i32
        %add3A_261 = arith.addi %add3A_260, %add3A_189 : i32
        %get3A_262 = arith.index_cast %add3A_261 : i32 to index
        %get3A_263 = arith.constant 48 : index
        %get3A_264 = tpu.vector_load %arg11[%get3A_262, %get3A_263] {strides = array<i32>} : memref<200x128xf32, #tpu.memory_space<vmem>>, vector<1x16xf32>,
        %get3A_265 = vector.shape_cast %get3A_264 : vector<1x16xf32> to vector<16xf32>
        %add3A_266 = arith.addf %mul3A_259, %get3A_265 : vector<16xf32>
        %swap3A_267 = arith.index_cast %add3A_189 : i32 to index
        %swap3A_268 = arith.constant 48 : index
        %swap3A_269 = tpu.vector_load %arg10[%swap3A_267, %swap3A_268] {strides = array<i32>} : memref<96x128xf32, #tpu.memory_space<vmem>>, vector<1x16xf32>,
        %swap3A_270 = vector.shape_cast %swap3A_269 : vector<1x16xf32> to vector<16xf32>
        %swap3A_271 = vector.shape_cast %add3A_266 : vector<16xf32> to vector<1x16xf32>
        tpu.vector_store %arg10[%swap3A_267, %swap3A_268], %swap3A_271 {strides = array<i32>} : memref<96x128xf32, #tpu.memory_space<vmem>>, vector<1x16xf32>,
        %add3A_272 = arith.constant 104 : i32
        %add3A_273 = arith.addi %add3A_272, %add3A_189 : i32
        %get3A_274 = arith.index_cast %add3A_273 : i32 to index
        %get3A_275 = arith.constant 64 : index
        %get3A_276 = tpu.vector_load %arg7[%get3A_274, %get3A_275] {strides = array<i32>} : memref<200x128xf32, #tpu.memory_space<vmem>>, vector<1x16xf32>,
        %get3A_277 = vector.shape_cast %get3A_276 : vector<1x16xf32> to vector<16xf32>
        %mul3A_278 = arith.constant 11.3137083 : f32
        %mul3A_279 = vector.broadcast %mul3A_278 : f32 to vector<16xf32>
        %mul3A_280 = arith.mulf %get3A_277, %mul3A_279 : vector<16xf32>
        %add3A_281 = arith.constant 104 : i32
        %add3A_282 = arith.addi %add3A_281, %add3A_189 : i32
        %get3A_283 = arith.index_cast %add3A_282 : i32 to index
        %get3A_284 = arith.constant 64 : index
        %get3A_285 = tpu.vector_load %arg11[%get3A_283, %get3A_284] {strides = array<i32>} : memref<200x128xf32, #tpu.memory_space<vmem>>, vector<1x16xf32>,
        %get3A_286 = vector.shape_cast %get3A_285 : vector<1x16xf32> to vector<16xf32>
        %add3A_287 = arith.addf %mul3A_280, %get3A_286 : vector<16xf32>
        %swap3A_288 = arith.index_cast %add3A_189 : i32 to index
        %swap3A_289 = arith.constant 64 : index
        %swap3A_290 = tpu.vector_load %arg10[%swap3A_288, %swap3A_289] {strides = array<i32>} : memref<96x128xf32, #tpu.memory_space<vmem>>, vector<1x16xf32>,
        %swap3A_291 = vector.shape_cast %swap3A_290 : vector<1x16xf32> to vector<16xf32>
        %swap3A_292 = vector.shape_cast %add3A_287 : vector<16xf32> to vector<1x16xf32>
        tpu.vector_store %arg10[%swap3A_288, %swap3A_289], %swap3A_292 {strides = array<i32>} : memref<96x128xf32, #tpu.memory_space<vmem>>, vector<1x16xf32>,
        %add3A_293 = arith.constant 104 : i32
        %add3A_294 = arith.addi %add3A_293, %add3A_189 : i32
        %get3A_295 = arith.index_cast %add3A_294 : i32 to index
        %get3A_296 = arith.constant 80 : index
        %get3A_297 = tpu.vector_load %arg7[%get3A_295, %get3A_296] {strides = array<i32>} : memref<200x128xf32, #tpu.memory_space<vmem>>, vector<1x16xf32>,
        %get3A_298 = vector.shape_cast %get3A_297 : vector<1x16xf32> to vector<16xf32>
        %mul3A_299 = arith.constant 11.3137083 : f32
        %mul3A_300 = vector.broadcast %mul3A_299 : f32 to vector<16xf32>
        %mul3A_301 = arith.mulf %get3A_298, %mul3A_300 : vector<16xf32>
        %add3A_302 = arith.constant 104 : i32
        %add3A_303 = arith.addi %add3A_302, %add3A_189 : i32
        %get3A_304 = arith.index_cast %add3A_303 : i32 to index
        %get3A_305 = arith.constant 80 : index
        %get3A_306 = tpu.vector_load %arg11[%get3A_304, %get3A_305] {strides = array<i32>} : memref<200x128xf32, #tpu.memory_space<vmem>>, vector<1x16xf32>,
        %get3A_307 = vector.shape_cast %get3A_306 : vector<1x16xf32> to vector<16xf32>
        %add3A_308 = arith.addf %mul3A_301, %get3A_307 : vector<16xf32>
        %swap3A_309 = arith.index_cast %add3A_189 : i32 to index
        %swap3A_310 = arith.constant 80 : index
        %swap3A_311 = tpu.vector_load %arg10[%swap3A_309, %swap3A_310] {strides = array<i32>} : memref<96x128xf32, #tpu.memory_space<vmem>>, vector<1x16xf32>,
        %swap3A_312 = vector.shape_cast %swap3A_311 : vector<1x16xf32> to vector<16xf32>
        %swap3A_313 = vector.shape_cast %add3A_308 : vector<16xf32> to vector<1x16xf32>
        tpu.vector_store %arg10[%swap3A_309, %swap3A_310], %swap3A_313 {strides = array<i32>} : memref<96x128xf32, #tpu.memory_space<vmem>>, vector<1x16xf32>,
        %add3A_314 = arith.constant 104 : i32
        %add3A_315 = arith.addi %add3A_314, %add3A_189 : i32
        %get3A_316 = arith.index_cast %add3A_315 : i32 to index
        %get3A_317 = arith.constant 96 : index
        %get3A_318 = tpu.vector_load %arg7[%get3A_316, %get3A_317] {strides = array<i32>} : memref<200x128xf32, #tpu.memory_space<vmem>>, vector<1x16xf32>,
        %get3A_319 = vector.shape_cast %get3A_318 : vector<1x16xf32> to vector<16xf32>
        %mul3A_320 = arith.constant 11.3137083 : f32
        %mul3A_321 = vector.broadcast %mul3A_320 : f32 to vector<16xf32>
        %mul3A_322 = arith.mulf %get3A_319, %mul3A_321 : vector<16xf32>
        %add3A_323 = arith.constant 104 : i32
        %add3A_324 = arith.addi %add3A_323, %add3A_189 : i32
        %get3A_325 = arith.index_cast %add3A_324 : i32 to index
        %get3A_326 = arith.constant 96 : index
        %get3A_327 = tpu.vector_load %arg11[%get3A_325, %get3A_326] {strides = array<i32>} : memref<200x128xf32, #tpu.memory_space<vmem>>, vector<1x16xf32>,
        %get3A_328 = vector.shape_cast %get3A_327 : vector<1x16xf32> to vector<16xf32>
        %add3A_329 = arith.addf %mul3A_322, %get3A_328 : vector<16xf32>
        %swap3A_330 = arith.index_cast %add3A_189 : i32 to index
        %swap3A_331 = arith.constant 96 : index
        %swap3A_332 = tpu.vector_load %arg10[%swap3A_330, %swap3A_331] {strides = array<i32>} : memref<96x128xf32, #tpu.memory_space<vmem>>, vector<1x16xf32>,
        %swap3A_333 = vector.shape_cast %swap3A_332 : vector<1x16xf32> to vector<16xf32>
        %swap3A_334 = vector.shape_cast %add3A_329 : vector<16xf32> to vector<1x16xf32>
        tpu.vector_store %arg10[%swap3A_330, %swap3A_331], %swap3A_334 {strides = array<i32>} : memref<96x128xf32, #tpu.memory_space<vmem>>, vector<1x16xf32>,
        %add3A_335 = arith.constant 104 : i32
        %add3A_336 = arith.addi %add3A_335, %add3A_189 : i32
        %get3A_337 = arith.index_cast %add3A_336 : i32 to index
        %get3A_338 = arith.constant 112 : index
        %get3A_339 = tpu.vector_load %arg7[%get3A_337, %get3A_338] {strides = array<i32>} : memref<200x128xf32, #tpu.memory_space<vmem>>, vector<1x16xf32>,
        %get3A_340 = vector.shape_cast %get3A_339 : vector<1x16xf32> to vector<16xf32>
        %mul3A_341 = arith.constant 11.3137083 : f32
        %mul3A_342 = vector.broadcast %mul3A_341 : f32 to vector<16xf32>
        %mul3A_343 = arith.mulf %get3A_340, %mul3A_342 : vector<16xf32>
        %add3A_344 = arith.constant 104 : i32
        %add3A_345 = arith.addi %add3A_344, %add3A_189 : i32
        %get3A_346 = arith.index_cast %add3A_345 : i32 to index
        %get3A_347 = arith.constant 112 : index
        %get3A_348 = tpu.vector_load %arg11[%get3A_346, %get3A_347] {strides = array<i32>} : memref<200x128xf32, #tpu.memory_space<vmem>>, vector<1x16xf32>,
        %get3A_349 = vector.shape_cast %get3A_348 : vector<1x16xf32> to vector<16xf32>
        %add3A_350 = arith.addf %mul3A_343, %get3A_349 : vector<16xf32>
        %swap3A_351 = arith.index_cast %add3A_189 : i32 to index
        %swap3A_352 = arith.constant 112 : index
        %swap3A_353 = tpu.vector_load %arg10[%swap3A_351, %swap3A_352] {strides = array<i32>} : memref<96x128xf32, #tpu.memory_space<vmem>>, vector<1x16xf32>,
        %swap3A_354 = vector.shape_cast %swap3A_353 : vector<1x16xf32> to vector<16xf32>
        %swap3A_355 = vector.shape_cast %add3A_350 : vector<16xf32> to vector<1x16xf32>
        tpu.vector_store %arg10[%swap3A_351, %swap3A_352], %swap3A_355 {strides = array<i32>} : memref<96x128xf32, #tpu.memory_space<vmem>>, vector<1x16xf32>,
        %mul3A_356 = arith.constant 2 : i32
        %mul3A_357 = arith.muli %scan3A_185, %mul3A_356 : i32
        %add3A_358 = arith.constant 1 : i32
        %add3A_359 = arith.addi %mul3A_357, %add3A_358 : i32
        %add3A_360 = arith.constant 104 : i32
        %add3A_361 = arith.addi %add3A_360, %add3A_359 : i32
        %get3A_362 = arith.index_cast %add3A_361 : i32 to index
        %get3A_363 = arith.constant 0 : index
        %get3A_364 = tpu.vector_load %arg7[%get3A_362, %get3A_363] {strides = array<i32>} : memref<200x128xf32, #tpu.memory_space<vmem>>, vector<1x16xf32>,
        %get3A_365 = vector.shape_cast %get3A_364 : vector<1x16xf32> to vector<16xf32>
        %mul3A_366 = arith.constant 11.3137083 : f32
        %mul3A_367 = vector.broadcast %mul3A_366 : f32 to vector<16xf32>
        %mul3A_368 = arith.mulf %get3A_365, %mul3A_367 : vector<16xf32>
        %add3A_369 = arith.constant 104 : i32
        %add3A_370 = arith.addi %add3A_369, %add3A_359 : i32
        %get3A_371 = arith.index_cast %add3A_370 : i32 to index
        %get3A_372 = arith.constant 0 : index
        %get3A_373 = tpu.vector_load %arg11[%get3A_371, %get3A_372] {strides = array<i32>} : memref<200x128xf32, #tpu.memory_space<vmem>>, vector<1x16xf32>,
        %get3A_374 = vector.shape_cast %get3A_373 : vector<1x16xf32> to vector<16xf32>
        %add3A_375 = arith.addf %mul3A_368, %get3A_374 : vector<16xf32>
        %swap3A_376 = arith.index_cast %add3A_359 : i32 to index
        %swap3A_377 = arith.constant 0 : index
        %swap3A_378 = tpu.vector_load %arg10[%swap3A_376, %swap3A_377] {strides = array<i32>} : memref<96x128xf32, #tpu.memory_space<vmem>>, vector<1x16xf32>,
        %swap3A_379 = vector.shape_cast %swap3A_378 : vector<1x16xf32> to vector<16xf32>
        %swap3A_380 = vector.shape_cast %add3A_375 : vector<16xf32> to vector<1x16xf32>
        tpu.vector_store %arg10[%swap3A_376, %swap3A_377], %swap3A_380 {strides = array<i32>} : memref<96x128xf32, #tpu.memory_space<vmem>>, vector<1x16xf32>,
        %add3A_381 = arith.constant 104 : i32
        %add3A_382 = arith.addi %add3A_381, %add3A_359 : i32
        %get3A_383 = arith.index_cast %add3A_382 : i32 to index
        %get3A_384 = arith.constant 16 : index
        %get3A_385 = tpu.vector_load %arg7[%get3A_383, %get3A_384] {strides = array<i32>} : memref<200x128xf32, #tpu.memory_space<vmem>>, vector<1x16xf32>,
        %get3A_386 = vector.shape_cast %get3A_385 : vector<1x16xf32> to vector<16xf32>
        %mul3A_387 = arith.constant 11.3137083 : f32
        %mul3A_388 = vector.broadcast %mul3A_387 : f32 to vector<16xf32>
        %mul3A_389 = arith.mulf %get3A_386, %mul3A_388 : vector<16xf32>
        %add3A_390 = arith.constant 104 : i32
        %add3A_391 = arith.addi %add3A_390, %add3A_359 : i32
        %get3A_392 = arith.index_cast %add3A_391 : i32 to index
        %get3A_393 = arith.constant 16 : index
        %get3A_394 = tpu.vector_load %arg11[%get3A_392, %get3A_393] {strides = array<i32>} : memref<200x128xf32, #tpu.memory_space<vmem>>, vector<1x16xf32>,
        %get3A_395 = vector.shape_cast %get3A_394 : vector<1x16xf32> to vector<16xf32>
        %add3A_396 = arith.addf %mul3A_389, %get3A_395 : vector<16xf32>
        %swap3A_397 = arith.index_cast %add3A_359 : i32 to index
        %swap3A_398 = arith.constant 16 : index
        %swap3A_399 = tpu.vector_load %arg10[%swap3A_397, %swap3A_398] {strides = array<i32>} : memref<96x128xf32, #tpu.memory_space<vmem>>, vector<1x16xf32>,
        %swap3A_400 = vector.shape_cast %swap3A_399 : vector<1x16xf32> to vector<16xf32>
        %swap3A_401 = vector.shape_cast %add3A_396 : vector<16xf32> to vector<1x16xf32>
        tpu.vector_store %arg10[%swap3A_397, %swap3A_398], %swap3A_401 {strides = array<i32>} : memref<96x128xf32, #tpu.memory_space<vmem>>, vector<1x16xf32>,
        %add3A_402 = arith.constant 104 : i32
        %add3A_403 = arith.addi %add3A_402, %add3A_359 : i32
        %get3A_404 = arith.index_cast %add3A_403 : i32 to index
        %get3A_405 = arith.constant 32 : index
        %get3A_406 = tpu.vector_load %arg7[%get3A_404, %get3A_405] {strides = array<i32>} : memref<200x128xf32, #tpu.memory_space<vmem>>, vector<1x16xf32>,
        %get3A_407 = vector.shape_cast %get3A_406 : vector<1x16xf32> to vector<16xf32>
        %mul3A_408 = arith.constant 11.3137083 : f32
        %mul3A_409 = vector.broadcast %mul3A_408 : f32 to vector<16xf32>
        %mul3A_410 = arith.mulf %get3A_407, %mul3A_409 : vector<16xf32>
        %add3A_411 = arith.constant 104 : i32
        %add3A_412 = arith.addi %add3A_411, %add3A_359 : i32
        %get3A_413 = arith.index_cast %add3A_412 : i32 to index
        %get3A_414 = arith.constant 32 : index
        %get3A_415 = tpu.vector_load %arg11[%get3A_413, %get3A_414] {strides = array<i32>} : memref<200x128xf32, #tpu.memory_space<vmem>>, vector<1x16xf32>,
        %get3A_416 = vector.shape_cast %get3A_415 : vector<1x16xf32> to vector<16xf32>
        %add3A_417 = arith.addf %mul3A_410, %get3A_416 : vector<16xf32>
        %swap3A_418 = arith.index_cast %add3A_359 : i32 to index
        %swap3A_419 = arith.constant 32 : index
        %swap3A_420 = tpu.vector_load %arg10[%swap3A_418, %swap3A_419] {strides = array<i32>} : memref<96x128xf32, #tpu.memory_space<vmem>>, vector<1x16xf32>,
        %swap3A_421 = vector.shape_cast %swap3A_420 : vector<1x16xf32> to vector<16xf32>
        %swap3A_422 = vector.shape_cast %add3A_417 : vector<16xf32> to vector<1x16xf32>
        tpu.vector_store %arg10[%swap3A_418, %swap3A_419], %swap3A_422 {strides = array<i32>} : memref<96x128xf32, #tpu.memory_space<vmem>>, vector<1x16xf32>,
        %add3A_423 = arith.constant 104 : i32
        %add3A_424 = arith.addi %add3A_423, %add3A_359 : i32
        %get3A_425 = arith.index_cast %add3A_424 : i32 to index
        %get3A_426 = arith.constant 48 : index
        %get3A_427 = tpu.vector_load %arg7[%get3A_425, %get3A_426] {strides = array<i32>} : memref<200x128xf32, #tpu.memory_space<vmem>>, vector<1x16xf32>,
        %get3A_428 = vector.shape_cast %get3A_427 : vector<1x16xf32> to vector<16xf32>
        %mul3A_429 = arith.constant 11.3137083 : f32
        %mul3A_430 = vector.broadcast %mul3A_429 : f32 to vector<16xf32>
        %mul3A_431 = arith.mulf %get3A_428, %mul3A_430 : vector<16xf32>
        %add3A_432 = arith.constant 104 : i32
        %add3A_433 = arith.addi %add3A_432, %add3A_359 : i32
        %get3A_434 = arith.index_cast %add3A_433 : i32 to index
        %get3A_435 = arith.constant 48 : index
        %get3A_436 = tpu.vector_load %arg11[%get3A_434, %get3A_435] {strides = array<i32>} : memref<200x128xf32, #tpu.memory_space<vmem>>, vector<1x16xf32>,
        %get3A_437 = vector.shape_cast %get3A_436 : vector<1x16xf32> to vector<16xf32>
        %add3A_438 = arith.addf %mul3A_431, %get3A_437 : vector<16xf32>
        %swap3A_439 = arith.index_cast %add3A_359 : i32 to index
        %swap3A_440 = arith.constant 48 : index
        %swap3A_441 = tpu.vector_load %arg10[%swap3A_439, %swap3A_440] {strides = array<i32>} : memref<96x128xf32, #tpu.memory_space<vmem>>, vector<1x16xf32>,
        %swap3A_442 = vector.shape_cast %swap3A_441 : vector<1x16xf32> to vector<16xf32>
        %swap3A_443 = vector.shape_cast %add3A_438 : vector<16xf32> to vector<1x16xf32>
        tpu.vector_store %arg10[%swap3A_439, %swap3A_440], %swap3A_443 {strides = array<i32>} : memref<96x128xf32, #tpu.memory_space<vmem>>, vector<1x16xf32>,
        %add3A_444 = arith.constant 104 : i32
        %add3A_445 = arith.addi %add3A_444, %add3A_359 : i32
        %get3A_446 = arith.index_cast %add3A_445 : i32 to index
        %get3A_447 = arith.constant 64 : index
        %get3A_448 = tpu.vector_load %arg7[%get3A_446, %get3A_447] {strides = array<i32>} : memref<200x128xf32, #tpu.memory_space<vmem>>, vector<1x16xf32>,
        %get3A_449 = vector.shape_cast %get3A_448 : vector<1x16xf32> to vector<16xf32>
        %mul3A_450 = arith.constant 11.3137083 : f32
        %mul3A_451 = vector.broadcast %mul3A_450 : f32 to vector<16xf32>
        %mul3A_452 = arith.mulf %get3A_449, %mul3A_451 : vector<16xf32>
        %add3A_453 = arith.constant 104 : i32
        %add3A_454 = arith.addi %add3A_453, %add3A_359 : i32
        %get3A_455 = arith.index_cast %add3A_454 : i32 to index
        %get3A_456 = arith.constant 64 : index
        %get3A_457 = tpu.vector_load %arg11[%get3A_455, %get3A_456] {strides = array<i32>} : memref<200x128xf32, #tpu.memory_space<vmem>>, vector<1x16xf32>,
        %get3A_458 = vector.shape_cast %get3A_457 : vector<1x16xf32> to vector<16xf32>
        %add3A_459 = arith.addf %mul3A_452, %get3A_458 : vector<16xf32>
        %swap3A_460 = arith.index_cast %add3A_359 : i32 to index
        %swap3A_461 = arith.constant 64 : index
        %swap3A_462 = tpu.vector_load %arg10[%swap3A_460, %swap3A_461] {strides = array<i32>} : memref<96x128xf32, #tpu.memory_space<vmem>>, vector<1x16xf32>,
        %swap3A_463 = vector.shape_cast %swap3A_462 : vector<1x16xf32> to vector<16xf32>
        %swap3A_464 = vector.shape_cast %add3A_459 : vector<16xf32> to vector<1x16xf32>
        tpu.vector_store %arg10[%swap3A_460, %swap3A_461], %swap3A_464 {strides = array<i32>} : memref<96x128xf32, #tpu.memory_space<vmem>>, vector<1x16xf32>,
        %add3A_465 = arith.constant 104 : i32
        %add3A_466 = arith.addi %add3A_465, %add3A_359 : i32
        %get3A_467 = arith.index_cast %add3A_466 : i32 to index
        %get3A_468 = arith.constant 80 : index
        %get3A_469 = tpu.vector_load %arg7[%get3A_467, %get3A_468] {strides = array<i32>} : memref<200x128xf32, #tpu.memory_space<vmem>>, vector<1x16xf32>,
        %get3A_470 = vector.shape_cast %get3A_469 : vector<1x16xf32> to vector<16xf32>
        %mul3A_471 = arith.constant 11.3137083 : f32
        %mul3A_472 = vector.broadcast %mul3A_471 : f32 to vector<16xf32>
        %mul3A_473 = arith.mulf %get3A_470, %mul3A_472 : vector<16xf32>
        %add3A_474 = arith.constant 104 : i32
        %add3A_475 = arith.addi %add3A_474, %add3A_359 : i32
        %get3A_476 = arith.index_cast %add3A_475 : i32 to index
        %get3A_477 = arith.constant 80 : index
        %get3A_478 = tpu.vector_load %arg11[%get3A_476, %get3A_477] {strides = array<i32>} : memref<200x128xf32, #tpu.memory_space<vmem>>, vector<1x16xf32>,
        %get3A_479 = vector.shape_cast %get3A_478 : vector<1x16xf32> to vector<16xf32>
        %add3A_480 = arith.addf %mul3A_473, %get3A_479 : vector<16xf32>
        %swap3A_481 = arith.index_cast %add3A_359 : i32 to index
        %swap3A_482 = arith.constant 80 : index
        %swap3A_483 = tpu.vector_load %arg10[%swap3A_481, %swap3A_482] {strides = array<i32>} : memref<96x128xf32, #tpu.memory_space<vmem>>, vector<1x16xf32>,
        %swap3A_484 = vector.shape_cast %swap3A_483 : vector<1x16xf32> to vector<16xf32>
        %swap3A_485 = vector.shape_cast %add3A_480 : vector<16xf32> to vector<1x16xf32>
        tpu.vector_store %arg10[%swap3A_481, %swap3A_482], %swap3A_485 {strides = array<i32>} : memref<96x128xf32, #tpu.memory_space<vmem>>, vector<1x16xf32>,
        %add3A_486 = arith.constant 104 : i32
        %add3A_487 = arith.addi %add3A_486, %add3A_359 : i32
        %get3A_488 = arith.index_cast %add3A_487 : i32 to index
        %get3A_489 = arith.constant 96 : index
        %get3A_490 = tpu.vector_load %arg7[%get3A_488, %get3A_489] {strides = array<i32>} : memref<200x128xf32, #tpu.memory_space<vmem>>, vector<1x16xf32>,
        %get3A_491 = vector.shape_cast %get3A_490 : vector<1x16xf32> to vector<16xf32>
        %mul3A_492 = arith.constant 11.3137083 : f32
        %mul3A_493 = vector.broadcast %mul3A_492 : f32 to vector<16xf32>
        %mul3A_494 = arith.mulf %get3A_491, %mul3A_493 : vector<16xf32>
        %add3A_495 = arith.constant 104 : i32
        %add3A_496 = arith.addi %add3A_495, %add3A_359 : i32
        %get3A_497 = arith.index_cast %add3A_496 : i32 to index
        %get3A_498 = arith.constant 96 : index
        %get3A_499 = tpu.vector_load %arg11[%get3A_497, %get3A_498] {strides = array<i32>} : memref<200x128xf32, #tpu.memory_space<vmem>>, vector<1x16xf32>,
        %get3A_500 = vector.shape_cast %get3A_499 : vector<1x16xf32> to vector<16xf32>
        %add3A_501 = arith.addf %mul3A_494, %get3A_500 : vector<16xf32>
        %swap3A_502 = arith.index_cast %add3A_359 : i32 to index
        %swap3A_503 = arith.constant 96 : index
        %swap3A_504 = tpu.vector_load %arg10[%swap3A_502, %swap3A_503] {strides = array<i32>} : memref<96x128xf32, #tpu.memory_space<vmem>>, vector<1x16xf32>,
        %swap3A_505 = vector.shape_cast %swap3A_504 : vector<1x16xf32> to vector<16xf32>
        %swap3A_506 = vector.shape_cast %add3A_501 : vector<16xf32> to vector<1x16xf32>
        tpu.vector_store %arg10[%swap3A_502, %swap3A_503], %swap3A_506 {strides = array<i32>} : memref<96x128xf32, #tpu.memory_space<vmem>>, vector<1x16xf32>,
        %add3A_507 = arith.constant 104 : i32
        %add3A_508 = arith.addi %add3A_507, %add3A_359 : i32
        %get3A_509 = arith.index_cast %add3A_508 : i32 to index
        %get3A_510 = arith.constant 112 : index
        %get3A_511 = tpu.vector_load %arg7[%get3A_509, %get3A_510] {strides = array<i32>} : memref<200x128xf32, #tpu.memory_space<vmem>>, vector<1x16xf32>,
        %get3A_512 = vector.shape_cast %get3A_511 : vector<1x16xf32> to vector<16xf32>
        %mul3A_513 = arith.constant 11.3137083 : f32
        %mul3A_514 = vector.broadcast %mul3A_513 : f32 to vector<16xf32>
        %mul3A_515 = arith.mulf %get3A_512, %mul3A_514 : vector<16xf32>
        %add3A_516 = arith.constant 104 : i32
        %add3A_517 = arith.addi %add3A_516, %add3A_359 : i32
        %get3A_518 = arith.index_cast %add3A_517 : i32 to index
        %get3A_519 = arith.constant 112 : index
        %get3A_520 = tpu.vector_load %arg11[%get3A_518, %get3A_519] {strides = array<i32>} : memref<200x128xf32, #tpu.memory_space<vmem>>, vector<1x16xf32>,
        %get3A_521 = vector.shape_cast %get3A_520 : vector<1x16xf32> to vector<16xf32>
        %add3A_522 = arith.addf %mul3A_515, %get3A_521 : vector<16xf32>
        %swap3A_523 = arith.index_cast %add3A_359 : i32 to index
        %swap3A_524 = arith.constant 112 : index
        %swap3A_525 = tpu.vector_load %arg10[%swap3A_523, %swap3A_524] {strides = array<i32>} : memref<96x128xf32, #tpu.memory_space<vmem>>, vector<1x16xf32>,
        %swap3A_526 = vector.shape_cast %swap3A_525 : vector<1x16xf32> to vector<16xf32>
        %swap3A_527 = vector.shape_cast %add3A_522 : vector<16xf32> to vector<1x16xf32>
        tpu.vector_store %arg10[%swap3A_523, %swap3A_524], %swap3A_527 {strides = array<i32>} : memref<96x128xf32, #tpu.memory_space<vmem>>, vector<1x16xf32>,
      }
      %scan3A_110 = arith.constant 48 : i32
      %add3A_111 = arith.addi %mul3A_2, %add3A_72 : i32
      %dma_start3A_112 = arith.constant 104 : i32
      %dma_start3A_113 = arith.constant 0 : i32
      %dma_start3A_114 = tpu.memref_slice %arg5[%add3A_111, %dma_start3A_112, %dma_start3A_113] : memref<1024x200x128xf32, #tpu.memory_space<hbm>> -> memref<1x96x128xf32, #tpu.memory_space<hbm>>
      %dma_start3A_115 = tpu.memref_squeeze %dma_start3A_114 : memref<1x96x128xf32, #tpu.memory_space<hbm>> -> memref<96x128xf32, #tpu.memory_space<hbm>>
      %dma_start3A_116 = arith.constant 104 : i32
      %dma_start3A_117 = arith.constant 0 : i32
      %dma_start3A_118 = tpu.memref_slice %arg5[%add3A_111, %dma_start3A_116, %dma_start3A_117] : memref<1024x200x128xf32, #tpu.memory_space<hbm>> -> memref<1x96x128xf32, #tpu.memory_space<hbm>>
      %dma_start3A_119 = tpu.memref_squeeze %dma_start3A_118 : memref<1x96x128xf32, #tpu.memory_space<hbm>> -> memref<96x128xf32, #tpu.memory_space<hbm>>
      tpu.enqueue_dma source(%arg10 : memref<96x128xf32, #tpu.memory_space<vmem>>) target(%dma_start3A_119 : memref<96x128xf32, #tpu.memory_space<hbm>>) target_semaphore(%arg15 : memref<!tpu.dma_semaphore, #tpu.memory_space<semaphore_mem>>)
      %lt3A_120 = arith.constant 15 : i32
      %lt3A_121 = arith.cmpi slt, %scan3A_68, %lt3A_120 : i32
      %convert_element_type3A_122 = arith.extui %lt3A_121 : i1 to i32
      %cond3A_123 = arith.constant 0 : i32
      %cond3A_124 = arith.cmpi ne, %convert_element_type3A_122, %cond3A_123 : i32
      scf.if %cond3A_124 {
        %add3A_185 = arith.constant 2 : i32
        %add3A_186 = arith.addi %add3A_72, %add3A_185 : i32
        %dma_start3A_187 = arith.constant 1 : i32
        %dma_start3A_188 = arith.constant 100 : i32
        %dma_start3A_189 = arith.constant 0 : i32
        %dma_start3A_190 = tpu.memref_slice %arg7[%dma_start3A_188, %dma_start3A_189] : memref<200x128xf32, #tpu.memory_space<vmem>> -> memref<100x128xf32, #tpu.memory_space<vmem>>
        %dma_start3A_191 = arith.constant 0 : i32
        %dma_start3A_192 = tpu.memref_slice %arg6[%add3A_186, %dma_start3A_187, %dma_start3A_191] : memref<32x2x100xi32, #tpu.memory_space<vmem>> -> memref<1x1x100xi32, #tpu.memory_space<vmem>>
        %dma_start3A_193 = tpu.memref_squeeze %dma_start3A_192 : memref<1x1x100xi32, #tpu.memory_space<vmem>> -> memref<100xi32, #tpu.memory_space<vmem>>
        %dma_start3A_194 = arith.constant 0 : i32
        %dma_start3A_195 = arith.constant 0 : i32
        %dma_start3A_196 = tpu.memref_slice %arg4[%dma_start3A_194, %dma_start3A_195] : memref<100000x128xf32, #tpu.memory_space<hbm>> -> memref<100000x128xf32, #tpu.memory_space<hbm>>
        tpu.enqueue_indirect_dma source(%dma_start3A_196 : memref<100000x128xf32, #tpu.memory_space<hbm>>) target(%dma_start3A_190 : memref<100x128xf32, #tpu.memory_space<vmem>>) offsets(%dma_start3A_193 : memref<100xi32, #tpu.memory_space<vmem>>) semaphore(%arg12 : memref<!tpu.dma_semaphore, #tpu.memory_space<semaphore_mem>>)
      } else {
      }
      %mul3A_125 = arith.constant 2 : i32
      %mul3A_126 = arith.muli %mul3A_125, %scan3A_68 : i32
      %add3A_127 = arith.constant 1 : i32
      %add3A_128 = arith.addi %mul3A_126, %add3A_127 : i32
      %dma_wait3A_129 = arith.constant 0 : i32
      %dma_wait3A_130 = arith.constant 0 : i32
      %dma_wait3A_131 = tpu.memref_slice %arg4[%dma_wait3A_129, %dma_wait3A_130] : memref<100000x128xf32, #tpu.memory_space<hbm>> -> memref<200x128xf32, #tpu.memory_space<hbm>>
      %dma_wait3A_132 = arith.constant 0 : i32
      %dma_wait3A_133 = arith.constant 0 : i32
      %dma_wait3A_134 = tpu.memref_slice %arg4[%dma_wait3A_132, %dma_wait3A_133] : memref<100000x128xf32, #tpu.memory_space<hbm>> -> memref<200x128xf32, #tpu.memory_space<hbm>>
      tpu.wait_dma2 semaphore(%arg13 : memref<!tpu.dma_semaphore, #tpu.memory_space<semaphore_mem>>) src(%dma_wait3A_134 : memref<200x128xf32, #tpu.memory_space<hbm>>) dst(%arg8 : memref<200x128xf32, #tpu.memory_space<vmem>>)
      %gt3A_135 = arith.constant 0 : i32
      %gt3A_136 = arith.cmpi sgt, %add3A_128, %gt3A_135 : i32
      %convert_element_type3A_137 = arith.extui %gt3A_136 : i1 to i32
      %cond3A_138 = arith.constant 0 : i32
      %cond3A_139 = arith.cmpi ne, %convert_element_type3A_137, %cond3A_138 : i32
      scf.if %cond3A_139 {
        %dma_wait3A_185 = arith.constant 0 : i32
        %dma_wait3A_186 = arith.constant 0 : i32
        %dma_wait3A_187 = arith.constant 0 : i32
        %dma_wait3A_188 = tpu.memref_slice %arg5[%dma_wait3A_185, %dma_wait3A_186, %dma_wait3A_187] : memref<1024x200x128xf32, #tpu.memory_space<hbm>> -> memref<1x104x128xf32, #tpu.memory_space<hbm>>
        %dma_wait3A_189 = tpu.memref_squeeze %dma_wait3A_188 : memref<1x104x128xf32, #tpu.memory_space<hbm>> -> memref<104x128xf32, #tpu.memory_space<hbm>>
        %dma_wait3A_190 = arith.constant 0 : i32
        %dma_wait3A_191 = arith.constant 0 : i32
        %dma_wait3A_192 = tpu.memref_slice %arg5[%dma_wait3A_185, %dma_wait3A_190, %dma_wait3A_191] : memref<1024x200x128xf32, #tpu.memory_space<hbm>> -> memref<1x104x128xf32, #tpu.memory_space<hbm>>
        %dma_wait3A_193 = tpu.memref_squeeze %dma_wait3A_192 : memref<1x104x128xf32, #tpu.memory_space<hbm>> -> memref<104x128xf32, #tpu.memory_space<hbm>>
        tpu.wait_dma2 semaphore(%arg14 : memref<!tpu.dma_semaphore, #tpu.memory_space<semaphore_mem>>) src(%arg9 : memref<104x128xf32, #tpu.memory_space<vmem>>) dst(%dma_wait3A_193 : memref<104x128xf32, #tpu.memory_space<hbm>>)
      } else {
      }
      %scan3A_140 = arith.constant 0 : i32
      %scan3A_141 = arith.constant 0 : i32
      %scan3A_142 = arith.constant 52 : i32
      %scan3A_143 = arith.addi %scan3A_141, %scan3A_142 : i32
      %scan3A_144 = arith.constant 1 : i32
      scf.for %scan3A_185 = %scan3A_141 to %scan3A_143 step %scan3A_144  : i32 {
        %mul3A_186 = arith.constant 2 : i32
        %mul3A_187 = arith.muli %scan3A_185, %mul3A_186 : i32
        %add3A_188 = arith.constant 0 : i32
        %add3A_189 = arith.addi %mul3A_187, %add3A_188 : i32
        %add3A_190 = arith.constant 0 : i32
        %add3A_191 = arith.addi %add3A_190, %add3A_189 : i32
        %get3A = arith.index_cast %add3A_191 : i32 to index
        %get3A_192 = arith.constant 0 : index
        %get3A_193 = tpu.vector_load %arg8[%get3A, %get3A_192] {strides = array<i32>} : memref<200x128xf32, #tpu.memory_space<vmem>>, vector<1x16xf32>,
        %get3A_194 = vector.shape_cast %get3A_193 : vector<1x16xf32> to vector<16xf32>
        %mul3A_195 = arith.constant 11.3137083 : f32
        %mul3A_196 = vector.broadcast %mul3A_195 : f32 to vector<16xf32>
        %mul3A_197 = arith.mulf %get3A_194, %mul3A_196 : vector<16xf32>
        %add3A_198 = arith.constant 0 : i32
        %add3A_199 = arith.addi %add3A_198, %add3A_189 : i32
        %get3A_200 = arith.index_cast %add3A_199 : i32 to index
        %get3A_201 = arith.constant 0 : index
        %get3A_202 = tpu.vector_load %arg11[%get3A_200, %get3A_201] {strides = array<i32>} : memref<200x128xf32, #tpu.memory_space<vmem>>, vector<1x16xf32>,
        %get3A_203 = vector.shape_cast %get3A_202 : vector<1x16xf32> to vector<16xf32>
        %add3A_204 = arith.addf %mul3A_197, %get3A_203 : vector<16xf32>
        %swap3A = arith.index_cast %add3A_189 : i32 to index
        %swap3A_205 = arith.constant 0 : index
        %swap3A_206 = tpu.vector_load %arg9[%swap3A, %swap3A_205] {strides = array<i32>} : memref<104x128xf32, #tpu.memory_space<vmem>>, vector<1x16xf32>,
        %swap3A_207 = vector.shape_cast %swap3A_206 : vector<1x16xf32> to vector<16xf32>
        %swap3A_208 = vector.shape_cast %add3A_204 : vector<16xf32> to vector<1x16xf32>
        tpu.vector_store %arg9[%swap3A, %swap3A_205], %swap3A_208 {strides = array<i32>} : memref<104x128xf32, #tpu.memory_space<vmem>>, vector<1x16xf32>,
        %add3A_209 = arith.constant 0 : i32
        %add3A_210 = arith.addi %add3A_209, %add3A_189 : i32
        %get3A_211 = arith.index_cast %add3A_210 : i32 to index
        %get3A_212 = arith.constant 16 : index
        %get3A_213 = tpu.vector_load %arg8[%get3A_211, %get3A_212] {strides = array<i32>} : memref<200x128xf32, #tpu.memory_space<vmem>>, vector<1x16xf32>,
        %get3A_214 = vector.shape_cast %get3A_213 : vector<1x16xf32> to vector<16xf32>
        %mul3A_215 = arith.constant 11.3137083 : f32
        %mul3A_216 = vector.broadcast %mul3A_215 : f32 to vector<16xf32>
        %mul3A_217 = arith.mulf %get3A_214, %mul3A_216 : vector<16xf32>
        %add3A_218 = arith.constant 0 : i32
        %add3A_219 = arith.addi %add3A_218, %add3A_189 : i32
        %get3A_220 = arith.index_cast %add3A_219 : i32 to index
        %get3A_221 = arith.constant 16 : index
        %get3A_222 = tpu.vector_load %arg11[%get3A_220, %get3A_221] {strides = array<i32>} : memref<200x128xf32, #tpu.memory_space<vmem>>, vector<1x16xf32>,
        %get3A_223 = vector.shape_cast %get3A_222 : vector<1x16xf32> to vector<16xf32>
        %add3A_224 = arith.addf %mul3A_217, %get3A_223 : vector<16xf32>
        %swap3A_225 = arith.index_cast %add3A_189 : i32 to index
        %swap3A_226 = arith.constant 16 : index
        %swap3A_227 = tpu.vector_load %arg9[%swap3A_225, %swap3A_226] {strides = array<i32>} : memref<104x128xf32, #tpu.memory_space<vmem>>, vector<1x16xf32>,
        %swap3A_228 = vector.shape_cast %swap3A_227 : vector<1x16xf32> to vector<16xf32>
        %swap3A_229 = vector.shape_cast %add3A_224 : vector<16xf32> to vector<1x16xf32>
        tpu.vector_store %arg9[%swap3A_225, %swap3A_226], %swap3A_229 {strides = array<i32>} : memref<104x128xf32, #tpu.memory_space<vmem>>, vector<1x16xf32>,
        %add3A_230 = arith.constant 0 : i32
        %add3A_231 = arith.addi %add3A_230, %add3A_189 : i32
        %get3A_232 = arith.index_cast %add3A_231 : i32 to index
        %get3A_233 = arith.constant 32 : index
        %get3A_234 = tpu.vector_load %arg8[%get3A_232, %get3A_233] {strides = array<i32>} : memref<200x128xf32, #tpu.memory_space<vmem>>, vector<1x16xf32>,
        %get3A_235 = vector.shape_cast %get3A_234 : vector<1x16xf32> to vector<16xf32>
        %mul3A_236 = arith.constant 11.3137083 : f32
        %mul3A_237 = vector.broadcast %mul3A_236 : f32 to vector<16xf32>
        %mul3A_238 = arith.mulf %get3A_235, %mul3A_237 : vector<16xf32>
        %add3A_239 = arith.constant 0 : i32
        %add3A_240 = arith.addi %add3A_239, %add3A_189 : i32
        %get3A_241 = arith.index_cast %add3A_240 : i32 to index
        %get3A_242 = arith.constant 32 : index
        %get3A_243 = tpu.vector_load %arg11[%get3A_241, %get3A_242] {strides = array<i32>} : memref<200x128xf32, #tpu.memory_space<vmem>>, vector<1x16xf32>,
        %get3A_244 = vector.shape_cast %get3A_243 : vector<1x16xf32> to vector<16xf32>
        %add3A_245 = arith.addf %mul3A_238, %get3A_244 : vector<16xf32>
        %swap3A_246 = arith.index_cast %add3A_189 : i32 to index
        %swap3A_247 = arith.constant 32 : index
        %swap3A_248 = tpu.vector_load %arg9[%swap3A_246, %swap3A_247] {strides = array<i32>} : memref<104x128xf32, #tpu.memory_space<vmem>>, vector<1x16xf32>,
        %swap3A_249 = vector.shape_cast %swap3A_248 : vector<1x16xf32> to vector<16xf32>
        %swap3A_250 = vector.shape_cast %add3A_245 : vector<16xf32> to vector<1x16xf32>
        tpu.vector_store %arg9[%swap3A_246, %swap3A_247], %swap3A_250 {strides = array<i32>} : memref<104x128xf32, #tpu.memory_space<vmem>>, vector<1x16xf32>,
        %add3A_251 = arith.constant 0 : i32
        %add3A_252 = arith.addi %add3A_251, %add3A_189 : i32
        %get3A_253 = arith.index_cast %add3A_252 : i32 to index
        %get3A_254 = arith.constant 48 : index
        %get3A_255 = tpu.vector_load %arg8[%get3A_253, %get3A_254] {strides = array<i32>} : memref<200x128xf32, #tpu.memory_space<vmem>>, vector<1x16xf32>,
        %get3A_256 = vector.shape_cast %get3A_255 : vector<1x16xf32> to vector<16xf32>
        %mul3A_257 = arith.constant 11.3137083 : f32
        %mul3A_258 = vector.broadcast %mul3A_257 : f32 to vector<16xf32>
        %mul3A_259 = arith.mulf %get3A_256, %mul3A_258 : vector<16xf32>
        %add3A_260 = arith.constant 0 : i32
        %add3A_261 = arith.addi %add3A_260, %add3A_189 : i32
        %get3A_262 = arith.index_cast %add3A_261 : i32 to index
        %get3A_263 = arith.constant 48 : index
        %get3A_264 = tpu.vector_load %arg11[%get3A_262, %get3A_263] {strides = array<i32>} : memref<200x128xf32, #tpu.memory_space<vmem>>, vector<1x16xf32>,
        %get3A_265 = vector.shape_cast %get3A_264 : vector<1x16xf32> to vector<16xf32>
        %add3A_266 = arith.addf %mul3A_259, %get3A_265 : vector<16xf32>
        %swap3A_267 = arith.index_cast %add3A_189 : i32 to index
        %swap3A_268 = arith.constant 48 : index
        %swap3A_269 = tpu.vector_load %arg9[%swap3A_267, %swap3A_268] {strides = array<i32>} : memref<104x128xf32, #tpu.memory_space<vmem>>, vector<1x16xf32>,
        %swap3A_270 = vector.shape_cast %swap3A_269 : vector<1x16xf32> to vector<16xf32>
        %swap3A_271 = vector.shape_cast %add3A_266 : vector<16xf32> to vector<1x16xf32>
        tpu.vector_store %arg9[%swap3A_267, %swap3A_268], %swap3A_271 {strides = array<i32>} : memref<104x128xf32, #tpu.memory_space<vmem>>, vector<1x16xf32>,
        %add3A_272 = arith.constant 0 : i32
        %add3A_273 = arith.addi %add3A_272, %add3A_189 : i32
        %get3A_274 = arith.index_cast %add3A_273 : i32 to index
        %get3A_275 = arith.constant 64 : index
        %get3A_276 = tpu.vector_load %arg8[%get3A_274, %get3A_275] {strides = array<i32>} : memref<200x128xf32, #tpu.memory_space<vmem>>, vector<1x16xf32>,
        %get3A_277 = vector.shape_cast %get3A_276 : vector<1x16xf32> to vector<16xf32>
        %mul3A_278 = arith.constant 11.3137083 : f32
        %mul3A_279 = vector.broadcast %mul3A_278 : f32 to vector<16xf32>
        %mul3A_280 = arith.mulf %get3A_277, %mul3A_279 : vector<16xf32>
        %add3A_281 = arith.constant 0 : i32
        %add3A_282 = arith.addi %add3A_281, %add3A_189 : i32
        %get3A_283 = arith.index_cast %add3A_282 : i32 to index
        %get3A_284 = arith.constant 64 : index
        %get3A_285 = tpu.vector_load %arg11[%get3A_283, %get3A_284] {strides = array<i32>} : memref<200x128xf32, #tpu.memory_space<vmem>>, vector<1x16xf32>,
        %get3A_286 = vector.shape_cast %get3A_285 : vector<1x16xf32> to vector<16xf32>
        %add3A_287 = arith.addf %mul3A_280, %get3A_286 : vector<16xf32>
        %swap3A_288 = arith.index_cast %add3A_189 : i32 to index
        %swap3A_289 = arith.constant 64 : index
        %swap3A_290 = tpu.vector_load %arg9[%swap3A_288, %swap3A_289] {strides = array<i32>} : memref<104x128xf32, #tpu.memory_space<vmem>>, vector<1x16xf32>,
        %swap3A_291 = vector.shape_cast %swap3A_290 : vector<1x16xf32> to vector<16xf32>
        %swap3A_292 = vector.shape_cast %add3A_287 : vector<16xf32> to vector<1x16xf32>
        tpu.vector_store %arg9[%swap3A_288, %swap3A_289], %swap3A_292 {strides = array<i32>} : memref<104x128xf32, #tpu.memory_space<vmem>>, vector<1x16xf32>,
        %add3A_293 = arith.constant 0 : i32
        %add3A_294 = arith.addi %add3A_293, %add3A_189 : i32
        %get3A_295 = arith.index_cast %add3A_294 : i32 to index
        %get3A_296 = arith.constant 80 : index
        %get3A_297 = tpu.vector_load %arg8[%get3A_295, %get3A_296] {strides = array<i32>} : memref<200x128xf32, #tpu.memory_space<vmem>>, vector<1x16xf32>,
        %get3A_298 = vector.shape_cast %get3A_297 : vector<1x16xf32> to vector<16xf32>
        %mul3A_299 = arith.constant 11.3137083 : f32
        %mul3A_300 = vector.broadcast %mul3A_299 : f32 to vector<16xf32>
        %mul3A_301 = arith.mulf %get3A_298, %mul3A_300 : vector<16xf32>
        %add3A_302 = arith.constant 0 : i32
        %add3A_303 = arith.addi %add3A_302, %add3A_189 : i32
        %get3A_304 = arith.index_cast %add3A_303 : i32 to index
        %get3A_305 = arith.constant 80 : index
        %get3A_306 = tpu.vector_load %arg11[%get3A_304, %get3A_305] {strides = array<i32>} : memref<200x128xf32, #tpu.memory_space<vmem>>, vector<1x16xf32>,
        %get3A_307 = vector.shape_cast %get3A_306 : vector<1x16xf32> to vector<16xf32>
        %add3A_308 = arith.addf %mul3A_301, %get3A_307 : vector<16xf32>
        %swap3A_309 = arith.index_cast %add3A_189 : i32 to index
        %swap3A_310 = arith.constant 80 : index
        %swap3A_311 = tpu.vector_load %arg9[%swap3A_309, %swap3A_310] {strides = array<i32>} : memref<104x128xf32, #tpu.memory_space<vmem>>, vector<1x16xf32>,
        %swap3A_312 = vector.shape_cast %swap3A_311 : vector<1x16xf32> to vector<16xf32>
        %swap3A_313 = vector.shape_cast %add3A_308 : vector<16xf32> to vector<1x16xf32>
        tpu.vector_store %arg9[%swap3A_309, %swap3A_310], %swap3A_313 {strides = array<i32>} : memref<104x128xf32, #tpu.memory_space<vmem>>, vector<1x16xf32>,
        %add3A_314 = arith.constant 0 : i32
        %add3A_315 = arith.addi %add3A_314, %add3A_189 : i32
        %get3A_316 = arith.index_cast %add3A_315 : i32 to index
        %get3A_317 = arith.constant 96 : index
        %get3A_318 = tpu.vector_load %arg8[%get3A_316, %get3A_317] {strides = array<i32>} : memref<200x128xf32, #tpu.memory_space<vmem>>, vector<1x16xf32>,
        %get3A_319 = vector.shape_cast %get3A_318 : vector<1x16xf32> to vector<16xf32>
        %mul3A_320 = arith.constant 11.3137083 : f32
        %mul3A_321 = vector.broadcast %mul3A_320 : f32 to vector<16xf32>
        %mul3A_322 = arith.mulf %get3A_319, %mul3A_321 : vector<16xf32>
        %add3A_323 = arith.constant 0 : i32
        %add3A_324 = arith.addi %add3A_323, %add3A_189 : i32
        %get3A_325 = arith.index_cast %add3A_324 : i32 to index
        %get3A_326 = arith.constant 96 : index
        %get3A_327 = tpu.vector_load %arg11[%get3A_325, %get3A_326] {strides = array<i32>} : memref<200x128xf32, #tpu.memory_space<vmem>>, vector<1x16xf32>,
        %get3A_328 = vector.shape_cast %get3A_327 : vector<1x16xf32> to vector<16xf32>
        %add3A_329 = arith.addf %mul3A_322, %get3A_328 : vector<16xf32>
        %swap3A_330 = arith.index_cast %add3A_189 : i32 to index
        %swap3A_331 = arith.constant 96 : index
        %swap3A_332 = tpu.vector_load %arg9[%swap3A_330, %swap3A_331] {strides = array<i32>} : memref<104x128xf32, #tpu.memory_space<vmem>>, vector<1x16xf32>,
        %swap3A_333 = vector.shape_cast %swap3A_332 : vector<1x16xf32> to vector<16xf32>
        %swap3A_334 = vector.shape_cast %add3A_329 : vector<16xf32> to vector<1x16xf32>
        tpu.vector_store %arg9[%swap3A_330, %swap3A_331], %swap3A_334 {strides = array<i32>} : memref<104x128xf32, #tpu.memory_space<vmem>>, vector<1x16xf32>,
        %add3A_335 = arith.constant 0 : i32
        %add3A_336 = arith.addi %add3A_335, %add3A_189 : i32
        %get3A_337 = arith.index_cast %add3A_336 : i32 to index
        %get3A_338 = arith.constant 112 : index
        %get3A_339 = tpu.vector_load %arg8[%get3A_337, %get3A_338] {strides = array<i32>} : memref<200x128xf32, #tpu.memory_space<vmem>>, vector<1x16xf32>,
        %get3A_340 = vector.shape_cast %get3A_339 : vector<1x16xf32> to vector<16xf32>
        %mul3A_341 = arith.constant 11.3137083 : f32
        %mul3A_342 = vector.broadcast %mul3A_341 : f32 to vector<16xf32>
        %mul3A_343 = arith.mulf %get3A_340, %mul3A_342 : vector<16xf32>
        %add3A_344 = arith.constant 0 : i32
        %add3A_345 = arith.addi %add3A_344, %add3A_189 : i32
        %get3A_346 = arith.index_cast %add3A_345 : i32 to index
        %get3A_347 = arith.constant 112 : index
        %get3A_348 = tpu.vector_load %arg11[%get3A_346, %get3A_347] {strides = array<i32>} : memref<200x128xf32, #tpu.memory_space<vmem>>, vector<1x16xf32>,
        %get3A_349 = vector.shape_cast %get3A_348 : vector<1x16xf32> to vector<16xf32>
        %add3A_350 = arith.addf %mul3A_343, %get3A_349 : vector<16xf32>
        %swap3A_351 = arith.index_cast %add3A_189 : i32 to index
        %swap3A_352 = arith.constant 112 : index
        %swap3A_353 = tpu.vector_load %arg9[%swap3A_351, %swap3A_352] {strides = array<i32>} : memref<104x128xf32, #tpu.memory_space<vmem>>, vector<1x16xf32>,
        %swap3A_354 = vector.shape_cast %swap3A_353 : vector<1x16xf32> to vector<16xf32>
        %swap3A_355 = vector.shape_cast %add3A_350 : vector<16xf32> to vector<1x16xf32>
        tpu.vector_store %arg9[%swap3A_351, %swap3A_352], %swap3A_355 {strides = array<i32>} : memref<104x128xf32, #tpu.memory_space<vmem>>, vector<1x16xf32>,
        %mul3A_356 = arith.constant 2 : i32
        %mul3A_357 = arith.muli %scan3A_185, %mul3A_356 : i32
        %add3A_358 = arith.constant 1 : i32
        %add3A_359 = arith.addi %mul3A_357, %add3A_358 : i32
        %add3A_360 = arith.constant 0 : i32
        %add3A_361 = arith.addi %add3A_360, %add3A_359 : i32
        %get3A_362 = arith.index_cast %add3A_361 : i32 to index
        %get3A_363 = arith.constant 0 : index
        %get3A_364 = tpu.vector_load %arg8[%get3A_362, %get3A_363] {strides = array<i32>} : memref<200x128xf32, #tpu.memory_space<vmem>>, vector<1x16xf32>,
        %get3A_365 = vector.shape_cast %get3A_364 : vector<1x16xf32> to vector<16xf32>
        %mul3A_366 = arith.constant 11.3137083 : f32
        %mul3A_367 = vector.broadcast %mul3A_366 : f32 to vector<16xf32>
        %mul3A_368 = arith.mulf %get3A_365, %mul3A_367 : vector<16xf32>
        %add3A_369 = arith.constant 0 : i32
        %add3A_370 = arith.addi %add3A_369, %add3A_359 : i32
        %get3A_371 = arith.index_cast %add3A_370 : i32 to index
        %get3A_372 = arith.constant 0 : index
        %get3A_373 = tpu.vector_load %arg11[%get3A_371, %get3A_372] {strides = array<i32>} : memref<200x128xf32, #tpu.memory_space<vmem>>, vector<1x16xf32>,
        %get3A_374 = vector.shape_cast %get3A_373 : vector<1x16xf32> to vector<16xf32>
        %add3A_375 = arith.addf %mul3A_368, %get3A_374 : vector<16xf32>
        %swap3A_376 = arith.index_cast %add3A_359 : i32 to index
        %swap3A_377 = arith.constant 0 : index
        %swap3A_378 = tpu.vector_load %arg9[%swap3A_376, %swap3A_377] {strides = array<i32>} : memref<104x128xf32, #tpu.memory_space<vmem>>, vector<1x16xf32>,
        %swap3A_379 = vector.shape_cast %swap3A_378 : vector<1x16xf32> to vector<16xf32>
        %swap3A_380 = vector.shape_cast %add3A_375 : vector<16xf32> to vector<1x16xf32>
        tpu.vector_store %arg9[%swap3A_376, %swap3A_377], %swap3A_380 {strides = array<i32>} : memref<104x128xf32, #tpu.memory_space<vmem>>, vector<1x16xf32>,
        %add3A_381 = arith.constant 0 : i32
        %add3A_382 = arith.addi %add3A_381, %add3A_359 : i32
        %get3A_383 = arith.index_cast %add3A_382 : i32 to index
        %get3A_384 = arith.constant 16 : index
        %get3A_385 = tpu.vector_load %arg8[%get3A_383, %get3A_384] {strides = array<i32>} : memref<200x128xf32, #tpu.memory_space<vmem>>, vector<1x16xf32>,
        %get3A_386 = vector.shape_cast %get3A_385 : vector<1x16xf32> to vector<16xf32>
        %mul3A_387 = arith.constant 11.3137083 : f32
        %mul3A_388 = vector.broadcast %mul3A_387 : f32 to vector<16xf32>
        %mul3A_389 = arith.mulf %get3A_386, %mul3A_388 : vector<16xf32>
        %add3A_390 = arith.constant 0 : i32
        %add3A_391 = arith.addi %add3A_390, %add3A_359 : i32
        %get3A_392 = arith.index_cast %add3A_391 : i32 to index
        %get3A_393 = arith.constant 16 : index
        %get3A_394 = tpu.vector_load %arg11[%get3A_392, %get3A_393] {strides = array<i32>} : memref<200x128xf32, #tpu.memory_space<vmem>>, vector<1x16xf32>,
        %get3A_395 = vector.shape_cast %get3A_394 : vector<1x16xf32> to vector<16xf32>
        %add3A_396 = arith.addf %mul3A_389, %get3A_395 : vector<16xf32>
        %swap3A_397 = arith.index_cast %add3A_359 : i32 to index
        %swap3A_398 = arith.constant 16 : index
        %swap3A_399 = tpu.vector_load %arg9[%swap3A_397, %swap3A_398] {strides = array<i32>} : memref<104x128xf32, #tpu.memory_space<vmem>>, vector<1x16xf32>,
        %swap3A_400 = vector.shape_cast %swap3A_399 : vector<1x16xf32> to vector<16xf32>
        %swap3A_401 = vector.shape_cast %add3A_396 : vector<16xf32> to vector<1x16xf32>
        tpu.vector_store %arg9[%swap3A_397, %swap3A_398], %swap3A_401 {strides = array<i32>} : memref<104x128xf32, #tpu.memory_space<vmem>>, vector<1x16xf32>,
        %add3A_402 = arith.constant 0 : i32
        %add3A_403 = arith.addi %add3A_402, %add3A_359 : i32
        %get3A_404 = arith.index_cast %add3A_403 : i32 to index
        %get3A_405 = arith.constant 32 : index
        %get3A_406 = tpu.vector_load %arg8[%get3A_404, %get3A_405] {strides = array<i32>} : memref<200x128xf32, #tpu.memory_space<vmem>>, vector<1x16xf32>,
        %get3A_407 = vector.shape_cast %get3A_406 : vector<1x16xf32> to vector<16xf32>
        %mul3A_408 = arith.constant 11.3137083 : f32
        %mul3A_409 = vector.broadcast %mul3A_408 : f32 to vector<16xf32>
        %mul3A_410 = arith.mulf %get3A_407, %mul3A_409 : vector<16xf32>
        %add3A_411 = arith.constant 0 : i32
        %add3A_412 = arith.addi %add3A_411, %add3A_359 : i32
        %get3A_413 = arith.index_cast %add3A_412 : i32 to index
        %get3A_414 = arith.constant 32 : index
        %get3A_415 = tpu.vector_load %arg11[%get3A_413, %get3A_414] {strides = array<i32>} : memref<200x128xf32, #tpu.memory_space<vmem>>, vector<1x16xf32>,
        %get3A_416 = vector.shape_cast %get3A_415 : vector<1x16xf32> to vector<16xf32>
        %add3A_417 = arith.addf %mul3A_410, %get3A_416 : vector<16xf32>
        %swap3A_418 = arith.index_cast %add3A_359 : i32 to index
        %swap3A_419 = arith.constant 32 : index
        %swap3A_420 = tpu.vector_load %arg9[%swap3A_418, %swap3A_419] {strides = array<i32>} : memref<104x128xf32, #tpu.memory_space<vmem>>, vector<1x16xf32>,
        %swap3A_421 = vector.shape_cast %swap3A_420 : vector<1x16xf32> to vector<16xf32>
        %swap3A_422 = vector.shape_cast %add3A_417 : vector<16xf32> to vector<1x16xf32>
        tpu.vector_store %arg9[%swap3A_418, %swap3A_419], %swap3A_422 {strides = array<i32>} : memref<104x128xf32, #tpu.memory_space<vmem>>, vector<1x16xf32>,
        %add3A_423 = arith.constant 0 : i32
        %add3A_424 = arith.addi %add3A_423, %add3A_359 : i32
        %get3A_425 = arith.index_cast %add3A_424 : i32 to index
        %get3A_426 = arith.constant 48 : index
        %get3A_427 = tpu.vector_load %arg8[%get3A_425, %get3A_426] {strides = array<i32>} : memref<200x128xf32, #tpu.memory_space<vmem>>, vector<1x16xf32>,
        %get3A_428 = vector.shape_cast %get3A_427 : vector<1x16xf32> to vector<16xf32>
        %mul3A_429 = arith.constant 11.3137083 : f32
        %mul3A_430 = vector.broadcast %mul3A_429 : f32 to vector<16xf32>
        %mul3A_431 = arith.mulf %get3A_428, %mul3A_430 : vector<16xf32>
        %add3A_432 = arith.constant 0 : i32
        %add3A_433 = arith.addi %add3A_432, %add3A_359 : i32
        %get3A_434 = arith.index_cast %add3A_433 : i32 to index
        %get3A_435 = arith.constant 48 : index
        %get3A_436 = tpu.vector_load %arg11[%get3A_434, %get3A_435] {strides = array<i32>} : memref<200x128xf32, #tpu.memory_space<vmem>>, vector<1x16xf32>,
        %get3A_437 = vector.shape_cast %get3A_436 : vector<1x16xf32> to vector<16xf32>
        %add3A_438 = arith.addf %mul3A_431, %get3A_437 : vector<16xf32>
        %swap3A_439 = arith.index_cast %add3A_359 : i32 to index
        %swap3A_440 = arith.constant 48 : index
        %swap3A_441 = tpu.vector_load %arg9[%swap3A_439, %swap3A_440] {strides = array<i32>} : memref<104x128xf32, #tpu.memory_space<vmem>>, vector<1x16xf32>,
        %swap3A_442 = vector.shape_cast %swap3A_441 : vector<1x16xf32> to vector<16xf32>
        %swap3A_443 = vector.shape_cast %add3A_438 : vector<16xf32> to vector<1x16xf32>
        tpu.vector_store %arg9[%swap3A_439, %swap3A_440], %swap3A_443 {strides = array<i32>} : memref<104x128xf32, #tpu.memory_space<vmem>>, vector<1x16xf32>,
        %add3A_444 = arith.constant 0 : i32
        %add3A_445 = arith.addi %add3A_444, %add3A_359 : i32
        %get3A_446 = arith.index_cast %add3A_445 : i32 to index
        %get3A_447 = arith.constant 64 : index
        %get3A_448 = tpu.vector_load %arg8[%get3A_446, %get3A_447] {strides = array<i32>} : memref<200x128xf32, #tpu.memory_space<vmem>>, vector<1x16xf32>,
        %get3A_449 = vector.shape_cast %get3A_448 : vector<1x16xf32> to vector<16xf32>
        %mul3A_450 = arith.constant 11.3137083 : f32
        %mul3A_451 = vector.broadcast %mul3A_450 : f32 to vector<16xf32>
        %mul3A_452 = arith.mulf %get3A_449, %mul3A_451 : vector<16xf32>
        %add3A_453 = arith.constant 0 : i32
        %add3A_454 = arith.addi %add3A_453, %add3A_359 : i32
        %get3A_455 = arith.index_cast %add3A_454 : i32 to index
        %get3A_456 = arith.constant 64 : index
        %get3A_457 = tpu.vector_load %arg11[%get3A_455, %get3A_456] {strides = array<i32>} : memref<200x128xf32, #tpu.memory_space<vmem>>, vector<1x16xf32>,
        %get3A_458 = vector.shape_cast %get3A_457 : vector<1x16xf32> to vector<16xf32>
        %add3A_459 = arith.addf %mul3A_452, %get3A_458 : vector<16xf32>
        %swap3A_460 = arith.index_cast %add3A_359 : i32 to index
        %swap3A_461 = arith.constant 64 : index
        %swap3A_462 = tpu.vector_load %arg9[%swap3A_460, %swap3A_461] {strides = array<i32>} : memref<104x128xf32, #tpu.memory_space<vmem>>, vector<1x16xf32>,
        %swap3A_463 = vector.shape_cast %swap3A_462 : vector<1x16xf32> to vector<16xf32>
        %swap3A_464 = vector.shape_cast %add3A_459 : vector<16xf32> to vector<1x16xf32>
        tpu.vector_store %arg9[%swap3A_460, %swap3A_461], %swap3A_464 {strides = array<i32>} : memref<104x128xf32, #tpu.memory_space<vmem>>, vector<1x16xf32>,
        %add3A_465 = arith.constant 0 : i32
        %add3A_466 = arith.addi %add3A_465, %add3A_359 : i32
        %get3A_467 = arith.index_cast %add3A_466 : i32 to index
        %get3A_468 = arith.constant 80 : index
        %get3A_469 = tpu.vector_load %arg8[%get3A_467, %get3A_468] {strides = array<i32>} : memref<200x128xf32, #tpu.memory_space<vmem>>, vector<1x16xf32>,
        %get3A_470 = vector.shape_cast %get3A_469 : vector<1x16xf32> to vector<16xf32>
        %mul3A_471 = arith.constant 11.3137083 : f32
        %mul3A_472 = vector.broadcast %mul3A_471 : f32 to vector<16xf32>
        %mul3A_473 = arith.mulf %get3A_470, %mul3A_472 : vector<16xf32>
        %add3A_474 = arith.constant 0 : i32
        %add3A_475 = arith.addi %add3A_474, %add3A_359 : i32
        %get3A_476 = arith.index_cast %add3A_475 : i32 to index
        %get3A_477 = arith.constant 80 : index
        %get3A_478 = tpu.vector_load %arg11[%get3A_476, %get3A_477] {strides = array<i32>} : memref<200x128xf32, #tpu.memory_space<vmem>>, vector<1x16xf32>,
        %get3A_479 = vector.shape_cast %get3A_478 : vector<1x16xf32> to vector<16xf32>
        %add3A_480 = arith.addf %mul3A_473, %get3A_479 : vector<16xf32>
        %swap3A_481 = arith.index_cast %add3A_359 : i32 to index
        %swap3A_482 = arith.constant 80 : index
        %swap3A_483 = tpu.vector_load %arg9[%swap3A_481, %swap3A_482] {strides = array<i32>} : memref<104x128xf32, #tpu.memory_space<vmem>>, vector<1x16xf32>,
        %swap3A_484 = vector.shape_cast %swap3A_483 : vector<1x16xf32> to vector<16xf32>
        %swap3A_485 = vector.shape_cast %add3A_480 : vector<16xf32> to vector<1x16xf32>
        tpu.vector_store %arg9[%swap3A_481, %swap3A_482], %swap3A_485 {strides = array<i32>} : memref<104x128xf32, #tpu.memory_space<vmem>>, vector<1x16xf32>,
        %add3A_486 = arith.constant 0 : i32
        %add3A_487 = arith.addi %add3A_486, %add3A_359 : i32
        %get3A_488 = arith.index_cast %add3A_487 : i32 to index
        %get3A_489 = arith.constant 96 : index
        %get3A_490 = tpu.vector_load %arg8[%get3A_488, %get3A_489] {strides = array<i32>} : memref<200x128xf32, #tpu.memory_space<vmem>>, vector<1x16xf32>,
        %get3A_491 = vector.shape_cast %get3A_490 : vector<1x16xf32> to vector<16xf32>
        %mul3A_492 = arith.constant 11.3137083 : f32
        %mul3A_493 = vector.broadcast %mul3A_492 : f32 to vector<16xf32>
        %mul3A_494 = arith.mulf %get3A_491, %mul3A_493 : vector<16xf32>
        %add3A_495 = arith.constant 0 : i32
        %add3A_496 = arith.addi %add3A_495, %add3A_359 : i32
        %get3A_497 = arith.index_cast %add3A_496 : i32 to index
        %get3A_498 = arith.constant 96 : index
        %get3A_499 = tpu.vector_load %arg11[%get3A_497, %get3A_498] {strides = array<i32>} : memref<200x128xf32, #tpu.memory_space<vmem>>, vector<1x16xf32>,
        %get3A_500 = vector.shape_cast %get3A_499 : vector<1x16xf32> to vector<16xf32>
        %add3A_501 = arith.addf %mul3A_494, %get3A_500 : vector<16xf32>
        %swap3A_502 = arith.index_cast %add3A_359 : i32 to index
        %swap3A_503 = arith.constant 96 : index
        %swap3A_504 = tpu.vector_load %arg9[%swap3A_502, %swap3A_503] {strides = array<i32>} : memref<104x128xf32, #tpu.memory_space<vmem>>, vector<1x16xf32>,
        %swap3A_505 = vector.shape_cast %swap3A_504 : vector<1x16xf32> to vector<16xf32>
        %swap3A_506 = vector.shape_cast %add3A_501 : vector<16xf32> to vector<1x16xf32>
        tpu.vector_store %arg9[%swap3A_502, %swap3A_503], %swap3A_506 {strides = array<i32>} : memref<104x128xf32, #tpu.memory_space<vmem>>, vector<1x16xf32>,
        %add3A_507 = arith.constant 0 : i32
        %add3A_508 = arith.addi %add3A_507, %add3A_359 : i32
        %get3A_509 = arith.index_cast %add3A_508 : i32 to index
        %get3A_510 = arith.constant 112 : index
        %get3A_511 = tpu.vector_load %arg8[%get3A_509, %get3A_510] {strides = array<i32>} : memref<200x128xf32, #tpu.memory_space<vmem>>, vector<1x16xf32>,
        %get3A_512 = vector.shape_cast %get3A_511 : vector<1x16xf32> to vector<16xf32>
        %mul3A_513 = arith.constant 11.3137083 : f32
        %mul3A_514 = vector.broadcast %mul3A_513 : f32 to vector<16xf32>
        %mul3A_515 = arith.mulf %get3A_512, %mul3A_514 : vector<16xf32>
        %add3A_516 = arith.constant 0 : i32
        %add3A_517 = arith.addi %add3A_516, %add3A_359 : i32
        %get3A_518 = arith.index_cast %add3A_517 : i32 to index
        %get3A_519 = arith.constant 112 : index
        %get3A_520 = tpu.vector_load %arg11[%get3A_518, %get3A_519] {strides = array<i32>} : memref<200x128xf32, #tpu.memory_space<vmem>>, vector<1x16xf32>,
        %get3A_521 = vector.shape_cast %get3A_520 : vector<1x16xf32> to vector<16xf32>
        %add3A_522 = arith.addf %mul3A_515, %get3A_521 : vector<16xf32>
        %swap3A_523 = arith.index_cast %add3A_359 : i32 to index
        %swap3A_524 = arith.constant 112 : index
        %swap3A_525 = tpu.vector_load %arg9[%swap3A_523, %swap3A_524] {strides = array<i32>} : memref<104x128xf32, #tpu.memory_space<vmem>>, vector<1x16xf32>,
        %swap3A_526 = vector.shape_cast %swap3A_525 : vector<1x16xf32> to vector<16xf32>
        %swap3A_527 = vector.shape_cast %add3A_522 : vector<16xf32> to vector<1x16xf32>
        tpu.vector_store %arg9[%swap3A_523, %swap3A_524], %swap3A_527 {strides = array<i32>} : memref<104x128xf32, #tpu.memory_space<vmem>>, vector<1x16xf32>,
      }
      %scan3A_145 = arith.constant 52 : i32
      %add3A_146 = arith.addi %mul3A_2, %add3A_128 : i32
      %dma_start3A_147 = arith.constant 0 : i32
      %dma_start3A_148 = arith.constant 0 : i32
      %dma_start3A_149 = tpu.memref_slice %arg5[%add3A_146, %dma_start3A_147, %dma_start3A_148] : memref<1024x200x128xf32, #tpu.memory_space<hbm>> -> memref<1x104x128xf32, #tpu.memory_space<hbm>>
      %dma_start3A_150 = tpu.memref_squeeze %dma_start3A_149 : memref<1x104x128xf32, #tpu.memory_space<hbm>> -> memref<104x128xf32, #tpu.memory_space<hbm>>
      %dma_start3A_151 = arith.constant 0 : i32
      %dma_start3A_152 = arith.constant 0 : i32
      %dma_start3A_153 = tpu.memref_slice %arg5[%add3A_146, %dma_start3A_151, %dma_start3A_152] : memref<1024x200x128xf32, #tpu.memory_space<hbm>> -> memref<1x104x128xf32, #tpu.memory_space<hbm>>
      %dma_start3A_154 = tpu.memref_squeeze %dma_start3A_153 : memref<1x104x128xf32, #tpu.memory_space<hbm>> -> memref<104x128xf32, #tpu.memory_space<hbm>>
      tpu.enqueue_dma source(%arg9 : memref<104x128xf32, #tpu.memory_space<vmem>>) target(%dma_start3A_154 : memref<104x128xf32, #tpu.memory_space<hbm>>) target_semaphore(%arg14 : memref<!tpu.dma_semaphore, #tpu.memory_space<semaphore_mem>>)
      %lt3A_155 = arith.constant 15 : i32
      %lt3A_156 = arith.cmpi slt, %scan3A_68, %lt3A_155 : i32
      %convert_element_type3A_157 = arith.extui %lt3A_156 : i1 to i32
      %cond3A_158 = arith.constant 0 : i32
      %cond3A_159 = arith.cmpi ne, %convert_element_type3A_157, %cond3A_158 : i32
      scf.if %cond3A_159 {
        %add3A_185 = arith.constant 2 : i32
        %add3A_186 = arith.addi %add3A_128, %add3A_185 : i32
        %dma_start3A_187 = arith.constant 0 : i32
        %dma_start3A_188 = arith.constant 0 : i32
        %dma_start3A_189 = arith.constant 0 : i32
        %dma_start3A_190 = tpu.memref_slice %arg8[%dma_start3A_188, %dma_start3A_189] : memref<200x128xf32, #tpu.memory_space<vmem>> -> memref<100x128xf32, #tpu.memory_space<vmem>>
        %dma_start3A_191 = arith.constant 0 : i32
        %dma_start3A_192 = tpu.memref_slice %arg6[%add3A_186, %dma_start3A_187, %dma_start3A_191] : memref<32x2x100xi32, #tpu.memory_space<vmem>> -> memref<1x1x100xi32, #tpu.memory_space<vmem>>
        %dma_start3A_193 = tpu.memref_squeeze %dma_start3A_192 : memref<1x1x100xi32, #tpu.memory_space<vmem>> -> memref<100xi32, #tpu.memory_space<vmem>>
        %dma_start3A_194 = arith.constant 0 : i32
        %dma_start3A_195 = arith.constant 0 : i32
        %dma_start3A_196 = tpu.memref_slice %arg4[%dma_start3A_194, %dma_start3A_195] : memref<100000x128xf32, #tpu.memory_space<hbm>> -> memref<100000x128xf32, #tpu.memory_space<hbm>>
        tpu.enqueue_indirect_dma source(%dma_start3A_196 : memref<100000x128xf32, #tpu.memory_space<hbm>>) target(%dma_start3A_190 : memref<100x128xf32, #tpu.memory_space<vmem>>) offsets(%dma_start3A_193 : memref<100xi32, #tpu.memory_space<vmem>>) semaphore(%arg13 : memref<!tpu.dma_semaphore, #tpu.memory_space<semaphore_mem>>)
      } else {
      }
      %gt3A_160 = arith.constant 0 : i32
      %gt3A_161 = arith.cmpi sgt, %add3A_128, %gt3A_160 : i32
      %convert_element_type3A_162 = arith.extui %gt3A_161 : i1 to i32
      %cond3A_163 = arith.constant 0 : i32
      %cond3A_164 = arith.cmpi ne, %convert_element_type3A_162, %cond3A_163 : i32
      scf.if %cond3A_164 {
        %dma_wait3A_185 = arith.constant 0 : i32
        %dma_wait3A_186 = arith.constant 104 : i32
        %dma_wait3A_187 = arith.constant 0 : i32
        %dma_wait3A_188 = tpu.memref_slice %arg5[%dma_wait3A_185, %dma_wait3A_186, %dma_wait3A_187] : memref<1024x200x128xf32, #tpu.memory_space<hbm>> -> memref<1x96x128xf32, #tpu.memory_space<hbm>>
        %dma_wait3A_189 = tpu.memref_squeeze %dma_wait3A_188 : memref<1x96x128xf32, #tpu.memory_space<hbm>> -> memref<96x128xf32, #tpu.memory_space<hbm>>
        %dma_wait3A_190 = arith.constant 104 : i32
        %dma_wait3A_191 = arith.constant 0 : i32
        %dma_wait3A_192 = tpu.memref_slice %arg5[%dma_wait3A_185, %dma_wait3A_190, %dma_wait3A_191] : memref<1024x200x128xf32, #tpu.memory_space<hbm>> -> memref<1x96x128xf32, #tpu.memory_space<hbm>>
        %dma_wait3A_193 = tpu.memref_squeeze %dma_wait3A_192 : memref<1x96x128xf32, #tpu.memory_space<hbm>> -> memref<96x128xf32, #tpu.memory_space<hbm>>
        tpu.wait_dma2 semaphore(%arg15 : memref<!tpu.dma_semaphore, #tpu.memory_space<semaphore_mem>>) src(%arg10 : memref<96x128xf32, #tpu.memory_space<vmem>>) dst(%dma_wait3A_193 : memref<96x128xf32, #tpu.memory_space<hbm>>)
      } else {
      }
      %scan3A_165 = arith.constant 0 : i32
      %scan3A_166 = arith.constant 0 : i32
      %scan3A_167 = arith.constant 48 : i32
      %scan3A_168 = arith.addi %scan3A_166, %scan3A_167 : i32
      %scan3A_169 = arith.constant 1 : i32
      scf.for %scan3A_185 = %scan3A_166 to %scan3A_168 step %scan3A_169  : i32 {
        %mul3A_186 = arith.constant 2 : i32
        %mul3A_187 = arith.muli %scan3A_185, %mul3A_186 : i32
        %add3A_188 = arith.constant 0 : i32
        %add3A_189 = arith.addi %mul3A_187, %add3A_188 : i32
        %add3A_190 = arith.constant 104 : i32
        %add3A_191 = arith.addi %add3A_190, %add3A_189 : i32
        %get3A = arith.index_cast %add3A_191 : i32 to index
        %get3A_192 = arith.constant 0 : index
        %get3A_193 = tpu.vector_load %arg8[%get3A, %get3A_192] {strides = array<i32>} : memref<200x128xf32, #tpu.memory_space<vmem>>, vector<1x16xf32>,
        %get3A_194 = vector.shape_cast %get3A_193 : vector<1x16xf32> to vector<16xf32>
        %mul3A_195 = arith.constant 11.3137083 : f32
        %mul3A_196 = vector.broadcast %mul3A_195 : f32 to vector<16xf32>
        %mul3A_197 = arith.mulf %get3A_194, %mul3A_196 : vector<16xf32>
        %add3A_198 = arith.constant 104 : i32
        %add3A_199 = arith.addi %add3A_198, %add3A_189 : i32
        %get3A_200 = arith.index_cast %add3A_199 : i32 to index
        %get3A_201 = arith.constant 0 : index
        %get3A_202 = tpu.vector_load %arg11[%get3A_200, %get3A_201] {strides = array<i32>} : memref<200x128xf32, #tpu.memory_space<vmem>>, vector<1x16xf32>,
        %get3A_203 = vector.shape_cast %get3A_202 : vector<1x16xf32> to vector<16xf32>
        %add3A_204 = arith.addf %mul3A_197, %get3A_203 : vector<16xf32>
        %swap3A = arith.index_cast %add3A_189 : i32 to index
        %swap3A_205 = arith.constant 0 : index
        %swap3A_206 = tpu.vector_load %arg10[%swap3A, %swap3A_205] {strides = array<i32>} : memref<96x128xf32, #tpu.memory_space<vmem>>, vector<1x16xf32>,
        %swap3A_207 = vector.shape_cast %swap3A_206 : vector<1x16xf32> to vector<16xf32>
        %swap3A_208 = vector.shape_cast %add3A_204 : vector<16xf32> to vector<1x16xf32>
        tpu.vector_store %arg10[%swap3A, %swap3A_205], %swap3A_208 {strides = array<i32>} : memref<96x128xf32, #tpu.memory_space<vmem>>, vector<1x16xf32>,
        %add3A_209 = arith.constant 104 : i32
        %add3A_210 = arith.addi %add3A_209, %add3A_189 : i32
        %get3A_211 = arith.index_cast %add3A_210 : i32 to index
        %get3A_212 = arith.constant 16 : index
        %get3A_213 = tpu.vector_load %arg8[%get3A_211, %get3A_212] {strides = array<i32>} : memref<200x128xf32, #tpu.memory_space<vmem>>, vector<1x16xf32>,
        %get3A_214 = vector.shape_cast %get3A_213 : vector<1x16xf32> to vector<16xf32>
        %mul3A_215 = arith.constant 11.3137083 : f32
        %mul3A_216 = vector.broadcast %mul3A_215 : f32 to vector<16xf32>
        %mul3A_217 = arith.mulf %get3A_214, %mul3A_216 : vector<16xf32>
        %add3A_218 = arith.constant 104 : i32
        %add3A_219 = arith.addi %add3A_218, %add3A_189 : i32
        %get3A_220 = arith.index_cast %add3A_219 : i32 to index
        %get3A_221 = arith.constant 16 : index
        %get3A_222 = tpu.vector_load %arg11[%get3A_220, %get3A_221] {strides = array<i32>} : memref<200x128xf32, #tpu.memory_space<vmem>>, vector<1x16xf32>,
        %get3A_223 = vector.shape_cast %get3A_222 : vector<1x16xf32> to vector<16xf32>
        %add3A_224 = arith.addf %mul3A_217, %get3A_223 : vector<16xf32>
        %swap3A_225 = arith.index_cast %add3A_189 : i32 to index
        %swap3A_226 = arith.constant 16 : index
        %swap3A_227 = tpu.vector_load %arg10[%swap3A_225, %swap3A_226] {strides = array<i32>} : memref<96x128xf32, #tpu.memory_space<vmem>>, vector<1x16xf32>,
        %swap3A_228 = vector.shape_cast %swap3A_227 : vector<1x16xf32> to vector<16xf32>
        %swap3A_229 = vector.shape_cast %add3A_224 : vector<16xf32> to vector<1x16xf32>
        tpu.vector_store %arg10[%swap3A_225, %swap3A_226], %swap3A_229 {strides = array<i32>} : memref<96x128xf32, #tpu.memory_space<vmem>>, vector<1x16xf32>,
        %add3A_230 = arith.constant 104 : i32
        %add3A_231 = arith.addi %add3A_230, %add3A_189 : i32
        %get3A_232 = arith.index_cast %add3A_231 : i32 to index
        %get3A_233 = arith.constant 32 : index
        %get3A_234 = tpu.vector_load %arg8[%get3A_232, %get3A_233] {strides = array<i32>} : memref<200x128xf32, #tpu.memory_space<vmem>>, vector<1x16xf32>,
        %get3A_235 = vector.shape_cast %get3A_234 : vector<1x16xf32> to vector<16xf32>
        %mul3A_236 = arith.constant 11.3137083 : f32
        %mul3A_237 = vector.broadcast %mul3A_236 : f32 to vector<16xf32>
        %mul3A_238 = arith.mulf %get3A_235, %mul3A_237 : vector<16xf32>
        %add3A_239 = arith.constant 104 : i32
        %add3A_240 = arith.addi %add3A_239, %add3A_189 : i32
        %get3A_241 = arith.index_cast %add3A_240 : i32 to index
        %get3A_242 = arith.constant 32 : index
        %get3A_243 = tpu.vector_load %arg11[%get3A_241, %get3A_242] {strides = array<i32>} : memref<200x128xf32, #tpu.memory_space<vmem>>, vector<1x16xf32>,
        %get3A_244 = vector.shape_cast %get3A_243 : vector<1x16xf32> to vector<16xf32>
        %add3A_245 = arith.addf %mul3A_238, %get3A_244 : vector<16xf32>
        %swap3A_246 = arith.index_cast %add3A_189 : i32 to index
        %swap3A_247 = arith.constant 32 : index
        %swap3A_248 = tpu.vector_load %arg10[%swap3A_246, %swap3A_247] {strides = array<i32>} : memref<96x128xf32, #tpu.memory_space<vmem>>, vector<1x16xf32>,
        %swap3A_249 = vector.shape_cast %swap3A_248 : vector<1x16xf32> to vector<16xf32>
        %swap3A_250 = vector.shape_cast %add3A_245 : vector<16xf32> to vector<1x16xf32>
        tpu.vector_store %arg10[%swap3A_246, %swap3A_247], %swap3A_250 {strides = array<i32>} : memref<96x128xf32, #tpu.memory_space<vmem>>, vector<1x16xf32>,
        %add3A_251 = arith.constant 104 : i32
        %add3A_252 = arith.addi %add3A_251, %add3A_189 : i32
        %get3A_253 = arith.index_cast %add3A_252 : i32 to index
        %get3A_254 = arith.constant 48 : index
        %get3A_255 = tpu.vector_load %arg8[%get3A_253, %get3A_254] {strides = array<i32>} : memref<200x128xf32, #tpu.memory_space<vmem>>, vector<1x16xf32>,
        %get3A_256 = vector.shape_cast %get3A_255 : vector<1x16xf32> to vector<16xf32>
        %mul3A_257 = arith.constant 11.3137083 : f32
        %mul3A_258 = vector.broadcast %mul3A_257 : f32 to vector<16xf32>
        %mul3A_259 = arith.mulf %get3A_256, %mul3A_258 : vector<16xf32>
        %add3A_260 = arith.constant 104 : i32
        %add3A_261 = arith.addi %add3A_260, %add3A_189 : i32
        %get3A_262 = arith.index_cast %add3A_261 : i32 to index
        %get3A_263 = arith.constant 48 : index
        %get3A_264 = tpu.vector_load %arg11[%get3A_262, %get3A_263] {strides = array<i32>} : memref<200x128xf32, #tpu.memory_space<vmem>>, vector<1x16xf32>,
        %get3A_265 = vector.shape_cast %get3A_264 : vector<1x16xf32> to vector<16xf32>
        %add3A_266 = arith.addf %mul3A_259, %get3A_265 : vector<16xf32>
        %swap3A_267 = arith.index_cast %add3A_189 : i32 to index
        %swap3A_268 = arith.constant 48 : index
        %swap3A_269 = tpu.vector_load %arg10[%swap3A_267, %swap3A_268] {strides = array<i32>} : memref<96x128xf32, #tpu.memory_space<vmem>>, vector<1x16xf32>,
        %swap3A_270 = vector.shape_cast %swap3A_269 : vector<1x16xf32> to vector<16xf32>
        %swap3A_271 = vector.shape_cast %add3A_266 : vector<16xf32> to vector<1x16xf32>
        tpu.vector_store %arg10[%swap3A_267, %swap3A_268], %swap3A_271 {strides = array<i32>} : memref<96x128xf32, #tpu.memory_space<vmem>>, vector<1x16xf32>,
        %add3A_272 = arith.constant 104 : i32
        %add3A_273 = arith.addi %add3A_272, %add3A_189 : i32
        %get3A_274 = arith.index_cast %add3A_273 : i32 to index
        %get3A_275 = arith.constant 64 : index
        %get3A_276 = tpu.vector_load %arg8[%get3A_274, %get3A_275] {strides = array<i32>} : memref<200x128xf32, #tpu.memory_space<vmem>>, vector<1x16xf32>,
        %get3A_277 = vector.shape_cast %get3A_276 : vector<1x16xf32> to vector<16xf32>
        %mul3A_278 = arith.constant 11.3137083 : f32
        %mul3A_279 = vector.broadcast %mul3A_278 : f32 to vector<16xf32>
        %mul3A_280 = arith.mulf %get3A_277, %mul3A_279 : vector<16xf32>
        %add3A_281 = arith.constant 104 : i32
        %add3A_282 = arith.addi %add3A_281, %add3A_189 : i32
        %get3A_283 = arith.index_cast %add3A_282 : i32 to index
        %get3A_284 = arith.constant 64 : index
        %get3A_285 = tpu.vector_load %arg11[%get3A_283, %get3A_284] {strides = array<i32>} : memref<200x128xf32, #tpu.memory_space<vmem>>, vector<1x16xf32>,
        %get3A_286 = vector.shape_cast %get3A_285 : vector<1x16xf32> to vector<16xf32>
        %add3A_287 = arith.addf %mul3A_280, %get3A_286 : vector<16xf32>
        %swap3A_288 = arith.index_cast %add3A_189 : i32 to index
        %swap3A_289 = arith.constant 64 : index
        %swap3A_290 = tpu.vector_load %arg10[%swap3A_288, %swap3A_289] {strides = array<i32>} : memref<96x128xf32, #tpu.memory_space<vmem>>, vector<1x16xf32>,
        %swap3A_291 = vector.shape_cast %swap3A_290 : vector<1x16xf32> to vector<16xf32>
        %swap3A_292 = vector.shape_cast %add3A_287 : vector<16xf32> to vector<1x16xf32>
        tpu.vector_store %arg10[%swap3A_288, %swap3A_289], %swap3A_292 {strides = array<i32>} : memref<96x128xf32, #tpu.memory_space<vmem>>, vector<1x16xf32>,
        %add3A_293 = arith.constant 104 : i32
        %add3A_294 = arith.addi %add3A_293, %add3A_189 : i32
        %get3A_295 = arith.index_cast %add3A_294 : i32 to index
        %get3A_296 = arith.constant 80 : index
        %get3A_297 = tpu.vector_load %arg8[%get3A_295, %get3A_296] {strides = array<i32>} : memref<200x128xf32, #tpu.memory_space<vmem>>, vector<1x16xf32>,
        %get3A_298 = vector.shape_cast %get3A_297 : vector<1x16xf32> to vector<16xf32>
        %mul3A_299 = arith.constant 11.3137083 : f32
        %mul3A_300 = vector.broadcast %mul3A_299 : f32 to vector<16xf32>
        %mul3A_301 = arith.mulf %get3A_298, %mul3A_300 : vector<16xf32>
        %add3A_302 = arith.constant 104 : i32
        %add3A_303 = arith.addi %add3A_302, %add3A_189 : i32
        %get3A_304 = arith.index_cast %add3A_303 : i32 to index
        %get3A_305 = arith.constant 80 : index
        %get3A_306 = tpu.vector_load %arg11[%get3A_304, %get3A_305] {strides = array<i32>} : memref<200x128xf32, #tpu.memory_space<vmem>>, vector<1x16xf32>,
        %get3A_307 = vector.shape_cast %get3A_306 : vector<1x16xf32> to vector<16xf32>
        %add3A_308 = arith.addf %mul3A_301, %get3A_307 : vector<16xf32>
        %swap3A_309 = arith.index_cast %add3A_189 : i32 to index
        %swap3A_310 = arith.constant 80 : index
        %swap3A_311 = tpu.vector_load %arg10[%swap3A_309, %swap3A_310] {strides = array<i32>} : memref<96x128xf32, #tpu.memory_space<vmem>>, vector<1x16xf32>,
        %swap3A_312 = vector.shape_cast %swap3A_311 : vector<1x16xf32> to vector<16xf32>
        %swap3A_313 = vector.shape_cast %add3A_308 : vector<16xf32> to vector<1x16xf32>
        tpu.vector_store %arg10[%swap3A_309, %swap3A_310], %swap3A_313 {strides = array<i32>} : memref<96x128xf32, #tpu.memory_space<vmem>>, vector<1x16xf32>,
        %add3A_314 = arith.constant 104 : i32
        %add3A_315 = arith.addi %add3A_314, %add3A_189 : i32
        %get3A_316 = arith.index_cast %add3A_315 : i32 to index
        %get3A_317 = arith.constant 96 : index
        %get3A_318 = tpu.vector_load %arg8[%get3A_316, %get3A_317] {strides = array<i32>} : memref<200x128xf32, #tpu.memory_space<vmem>>, vector<1x16xf32>,
        %get3A_319 = vector.shape_cast %get3A_318 : vector<1x16xf32> to vector<16xf32>
        %mul3A_320 = arith.constant 11.3137083 : f32
        %mul3A_321 = vector.broadcast %mul3A_320 : f32 to vector<16xf32>
        %mul3A_322 = arith.mulf %get3A_319, %mul3A_321 : vector<16xf32>
        %add3A_323 = arith.constant 104 : i32
        %add3A_324 = arith.addi %add3A_323, %add3A_189 : i32
        %get3A_325 = arith.index_cast %add3A_324 : i32 to index
        %get3A_326 = arith.constant 96 : index
        %get3A_327 = tpu.vector_load %arg11[%get3A_325, %get3A_326] {strides = array<i32>} : memref<200x128xf32, #tpu.memory_space<vmem>>, vector<1x16xf32>,
        %get3A_328 = vector.shape_cast %get3A_327 : vector<1x16xf32> to vector<16xf32>
        %add3A_329 = arith.addf %mul3A_322, %get3A_328 : vector<16xf32>
        %swap3A_330 = arith.index_cast %add3A_189 : i32 to index
        %swap3A_331 = arith.constant 96 : index
        %swap3A_332 = tpu.vector_load %arg10[%swap3A_330, %swap3A_331] {strides = array<i32>} : memref<96x128xf32, #tpu.memory_space<vmem>>, vector<1x16xf32>,
        %swap3A_333 = vector.shape_cast %swap3A_332 : vector<1x16xf32> to vector<16xf32>
        %swap3A_334 = vector.shape_cast %add3A_329 : vector<16xf32> to vector<1x16xf32>
        tpu.vector_store %arg10[%swap3A_330, %swap3A_331], %swap3A_334 {strides = array<i32>} : memref<96x128xf32, #tpu.memory_space<vmem>>, vector<1x16xf32>,
        %add3A_335 = arith.constant 104 : i32
        %add3A_336 = arith.addi %add3A_335, %add3A_189 : i32
        %get3A_337 = arith.index_cast %add3A_336 : i32 to index
        %get3A_338 = arith.constant 112 : index
        %get3A_339 = tpu.vector_load %arg8[%get3A_337, %get3A_338] {strides = array<i32>} : memref<200x128xf32, #tpu.memory_space<vmem>>, vector<1x16xf32>,
        %get3A_340 = vector.shape_cast %get3A_339 : vector<1x16xf32> to vector<16xf32>
        %mul3A_341 = arith.constant 11.3137083 : f32
        %mul3A_342 = vector.broadcast %mul3A_341 : f32 to vector<16xf32>
        %mul3A_343 = arith.mulf %get3A_340, %mul3A_342 : vector<16xf32>
        %add3A_344 = arith.constant 104 : i32
        %add3A_345 = arith.addi %add3A_344, %add3A_189 : i32
        %get3A_346 = arith.index_cast %add3A_345 : i32 to index
        %get3A_347 = arith.constant 112 : index
        %get3A_348 = tpu.vector_load %arg11[%get3A_346, %get3A_347] {strides = array<i32>} : memref<200x128xf32, #tpu.memory_space<vmem>>, vector<1x16xf32>,
        %get3A_349 = vector.shape_cast %get3A_348 : vector<1x16xf32> to vector<16xf32>
        %add3A_350 = arith.addf %mul3A_343, %get3A_349 : vector<16xf32>
        %swap3A_351 = arith.index_cast %add3A_189 : i32 to index
        %swap3A_352 = arith.constant 112 : index
        %swap3A_353 = tpu.vector_load %arg10[%swap3A_351, %swap3A_352] {strides = array<i32>} : memref<96x128xf32, #tpu.memory_space<vmem>>, vector<1x16xf32>,
        %swap3A_354 = vector.shape_cast %swap3A_353 : vector<1x16xf32> to vector<16xf32>
        %swap3A_355 = vector.shape_cast %add3A_350 : vector<16xf32> to vector<1x16xf32>
        tpu.vector_store %arg10[%swap3A_351, %swap3A_352], %swap3A_355 {strides = array<i32>} : memref<96x128xf32, #tpu.memory_space<vmem>>, vector<1x16xf32>,
        %mul3A_356 = arith.constant 2 : i32
        %mul3A_357 = arith.muli %scan3A_185, %mul3A_356 : i32
        %add3A_358 = arith.constant 1 : i32
        %add3A_359 = arith.addi %mul3A_357, %add3A_358 : i32
        %add3A_360 = arith.constant 104 : i32
        %add3A_361 = arith.addi %add3A_360, %add3A_359 : i32
        %get3A_362 = arith.index_cast %add3A_361 : i32 to index
        %get3A_363 = arith.constant 0 : index
        %get3A_364 = tpu.vector_load %arg8[%get3A_362, %get3A_363] {strides = array<i32>} : memref<200x128xf32, #tpu.memory_space<vmem>>, vector<1x16xf32>,
        %get3A_365 = vector.shape_cast %get3A_364 : vector<1x16xf32> to vector<16xf32>
        %mul3A_366 = arith.constant 11.3137083 : f32
        %mul3A_367 = vector.broadcast %mul3A_366 : f32 to vector<16xf32>
        %mul3A_368 = arith.mulf %get3A_365, %mul3A_367 : vector<16xf32>
        %add3A_369 = arith.constant 104 : i32
        %add3A_370 = arith.addi %add3A_369, %add3A_359 : i32
        %get3A_371 = arith.index_cast %add3A_370 : i32 to index
        %get3A_372 = arith.constant 0 : index
        %get3A_373 = tpu.vector_load %arg11[%get3A_371, %get3A_372] {strides = array<i32>} : memref<200x128xf32, #tpu.memory_space<vmem>>, vector<1x16xf32>,
        %get3A_374 = vector.shape_cast %get3A_373 : vector<1x16xf32> to vector<16xf32>
        %add3A_375 = arith.addf %mul3A_368, %get3A_374 : vector<16xf32>
        %swap3A_376 = arith.index_cast %add3A_359 : i32 to index
        %swap3A_377 = arith.constant 0 : index
        %swap3A_378 = tpu.vector_load %arg10[%swap3A_376, %swap3A_377] {strides = array<i32>} : memref<96x128xf32, #tpu.memory_space<vmem>>, vector<1x16xf32>,
        %swap3A_379 = vector.shape_cast %swap3A_378 : vector<1x16xf32> to vector<16xf32>
        %swap3A_380 = vector.shape_cast %add3A_375 : vector<16xf32> to vector<1x16xf32>
        tpu.vector_store %arg10[%swap3A_376, %swap3A_377], %swap3A_380 {strides = array<i32>} : memref<96x128xf32, #tpu.memory_space<vmem>>, vector<1x16xf32>,
        %add3A_381 = arith.constant 104 : i32
        %add3A_382 = arith.addi %add3A_381, %add3A_359 : i32
        %get3A_383 = arith.index_cast %add3A_382 : i32 to index
        %get3A_384 = arith.constant 16 : index
        %get3A_385 = tpu.vector_load %arg8[%get3A_383, %get3A_384] {strides = array<i32>} : memref<200x128xf32, #tpu.memory_space<vmem>>, vector<1x16xf32>,
        %get3A_386 = vector.shape_cast %get3A_385 : vector<1x16xf32> to vector<16xf32>
        %mul3A_387 = arith.constant 11.3137083 : f32
        %mul3A_388 = vector.broadcast %mul3A_387 : f32 to vector<16xf32>
        %mul3A_389 = arith.mulf %get3A_386, %mul3A_388 : vector<16xf32>
        %add3A_390 = arith.constant 104 : i32
        %add3A_391 = arith.addi %add3A_390, %add3A_359 : i32
        %get3A_392 = arith.index_cast %add3A_391 : i32 to index
        %get3A_393 = arith.constant 16 : index
        %get3A_394 = tpu.vector_load %arg11[%get3A_392, %get3A_393] {strides = array<i32>} : memref<200x128xf32, #tpu.memory_space<vmem>>, vector<1x16xf32>,
        %get3A_395 = vector.shape_cast %get3A_394 : vector<1x16xf32> to vector<16xf32>
        %add3A_396 = arith.addf %mul3A_389, %get3A_395 : vector<16xf32>
        %swap3A_397 = arith.index_cast %add3A_359 : i32 to index
        %swap3A_398 = arith.constant 16 : index
        %swap3A_399 = tpu.vector_load %arg10[%swap3A_397, %swap3A_398] {strides = array<i32>} : memref<96x128xf32, #tpu.memory_space<vmem>>, vector<1x16xf32>,
        %swap3A_400 = vector.shape_cast %swap3A_399 : vector<1x16xf32> to vector<16xf32>
        %swap3A_401 = vector.shape_cast %add3A_396 : vector<16xf32> to vector<1x16xf32>
        tpu.vector_store %arg10[%swap3A_397, %swap3A_398], %swap3A_401 {strides = array<i32>} : memref<96x128xf32, #tpu.memory_space<vmem>>, vector<1x16xf32>,
        %add3A_402 = arith.constant 104 : i32
        %add3A_403 = arith.addi %add3A_402, %add3A_359 : i32
        %get3A_404 = arith.index_cast %add3A_403 : i32 to index
        %get3A_405 = arith.constant 32 : index
        %get3A_406 = tpu.vector_load %arg8[%get3A_404, %get3A_405] {strides = array<i32>} : memref<200x128xf32, #tpu.memory_space<vmem>>, vector<1x16xf32>,
        %get3A_407 = vector.shape_cast %get3A_406 : vector<1x16xf32> to vector<16xf32>
        %mul3A_408 = arith.constant 11.3137083 : f32
        %mul3A_409 = vector.broadcast %mul3A_408 : f32 to vector<16xf32>
        %mul3A_410 = arith.mulf %get3A_407, %mul3A_409 : vector<16xf32>
        %add3A_411 = arith.constant 104 : i32
        %add3A_412 = arith.addi %add3A_411, %add3A_359 : i32
        %get3A_413 = arith.index_cast %add3A_412 : i32 to index
        %get3A_414 = arith.constant 32 : index
        %get3A_415 = tpu.vector_load %arg11[%get3A_413, %get3A_414] {strides = array<i32>} : memref<200x128xf32, #tpu.memory_space<vmem>>, vector<1x16xf32>,
        %get3A_416 = vector.shape_cast %get3A_415 : vector<1x16xf32> to vector<16xf32>
        %add3A_417 = arith.addf %mul3A_410, %get3A_416 : vector<16xf32>
        %swap3A_418 = arith.index_cast %add3A_359 : i32 to index
        %swap3A_419 = arith.constant 32 : index
        %swap3A_420 = tpu.vector_load %arg10[%swap3A_418, %swap3A_419] {strides = array<i32>} : memref<96x128xf32, #tpu.memory_space<vmem>>, vector<1x16xf32>,
        %swap3A_421 = vector.shape_cast %swap3A_420 : vector<1x16xf32> to vector<16xf32>
        %swap3A_422 = vector.shape_cast %add3A_417 : vector<16xf32> to vector<1x16xf32>
        tpu.vector_store %arg10[%swap3A_418, %swap3A_419], %swap3A_422 {strides = array<i32>} : memref<96x128xf32, #tpu.memory_space<vmem>>, vector<1x16xf32>,
        %add3A_423 = arith.constant 104 : i32
        %add3A_424 = arith.addi %add3A_423, %add3A_359 : i32
        %get3A_425 = arith.index_cast %add3A_424 : i32 to index
        %get3A_426 = arith.constant 48 : index
        %get3A_427 = tpu.vector_load %arg8[%get3A_425, %get3A_426] {strides = array<i32>} : memref<200x128xf32, #tpu.memory_space<vmem>>, vector<1x16xf32>,
        %get3A_428 = vector.shape_cast %get3A_427 : vector<1x16xf32> to vector<16xf32>
        %mul3A_429 = arith.constant 11.3137083 : f32
        %mul3A_430 = vector.broadcast %mul3A_429 : f32 to vector<16xf32>
        %mul3A_431 = arith.mulf %get3A_428, %mul3A_430 : vector<16xf32>
        %add3A_432 = arith.constant 104 : i32
        %add3A_433 = arith.addi %add3A_432, %add3A_359 : i32
        %get3A_434 = arith.index_cast %add3A_433 : i32 to index
        %get3A_435 = arith.constant 48 : index
        %get3A_436 = tpu.vector_load %arg11[%get3A_434, %get3A_435] {strides = array<i32>} : memref<200x128xf32, #tpu.memory_space<vmem>>, vector<1x16xf32>,
        %get3A_437 = vector.shape_cast %get3A_436 : vector<1x16xf32> to vector<16xf32>
        %add3A_438 = arith.addf %mul3A_431, %get3A_437 : vector<16xf32>
        %swap3A_439 = arith.index_cast %add3A_359 : i32 to index
        %swap3A_440 = arith.constant 48 : index
        %swap3A_441 = tpu.vector_load %arg10[%swap3A_439, %swap3A_440] {strides = array<i32>} : memref<96x128xf32, #tpu.memory_space<vmem>>, vector<1x16xf32>,
        %swap3A_442 = vector.shape_cast %swap3A_441 : vector<1x16xf32> to vector<16xf32>
        %swap3A_443 = vector.shape_cast %add3A_438 : vector<16xf32> to vector<1x16xf32>
        tpu.vector_store %arg10[%swap3A_439, %swap3A_440], %swap3A_443 {strides = array<i32>} : memref<96x128xf32, #tpu.memory_space<vmem>>, vector<1x16xf32>,
        %add3A_444 = arith.constant 104 : i32
        %add3A_445 = arith.addi %add3A_444, %add3A_359 : i32
        %get3A_446 = arith.index_cast %add3A_445 : i32 to index
        %get3A_447 = arith.constant 64 : index
        %get3A_448 = tpu.vector_load %arg8[%get3A_446, %get3A_447] {strides = array<i32>} : memref<200x128xf32, #tpu.memory_space<vmem>>, vector<1x16xf32>,
        %get3A_449 = vector.shape_cast %get3A_448 : vector<1x16xf32> to vector<16xf32>
        %mul3A_450 = arith.constant 11.3137083 : f32
        %mul3A_451 = vector.broadcast %mul3A_450 : f32 to vector<16xf32>
        %mul3A_452 = arith.mulf %get3A_449, %mul3A_451 : vector<16xf32>
        %add3A_453 = arith.constant 104 : i32
        %add3A_454 = arith.addi %add3A_453, %add3A_359 : i32
        %get3A_455 = arith.index_cast %add3A_454 : i32 to index
        %get3A_456 = arith.constant 64 : index
        %get3A_457 = tpu.vector_load %arg11[%get3A_455, %get3A_456] {strides = array<i32>} : memref<200x128xf32, #tpu.memory_space<vmem>>, vector<1x16xf32>,
        %get3A_458 = vector.shape_cast %get3A_457 : vector<1x16xf32> to vector<16xf32>
        %add3A_459 = arith.addf %mul3A_452, %get3A_458 : vector<16xf32>
        %swap3A_460 = arith.index_cast %add3A_359 : i32 to index
        %swap3A_461 = arith.constant 64 : index
        %swap3A_462 = tpu.vector_load %arg10[%swap3A_460, %swap3A_461] {strides = array<i32>} : memref<96x128xf32, #tpu.memory_space<vmem>>, vector<1x16xf32>,
        %swap3A_463 = vector.shape_cast %swap3A_462 : vector<1x16xf32> to vector<16xf32>
        %swap3A_464 = vector.shape_cast %add3A_459 : vector<16xf32> to vector<1x16xf32>
        tpu.vector_store %arg10[%swap3A_460, %swap3A_461], %swap3A_464 {strides = array<i32>} : memref<96x128xf32, #tpu.memory_space<vmem>>, vector<1x16xf32>,
        %add3A_465 = arith.constant 104 : i32
        %add3A_466 = arith.addi %add3A_465, %add3A_359 : i32
        %get3A_467 = arith.index_cast %add3A_466 : i32 to index
        %get3A_468 = arith.constant 80 : index
        %get3A_469 = tpu.vector_load %arg8[%get3A_467, %get3A_468] {strides = array<i32>} : memref<200x128xf32, #tpu.memory_space<vmem>>, vector<1x16xf32>,
        %get3A_470 = vector.shape_cast %get3A_469 : vector<1x16xf32> to vector<16xf32>
        %mul3A_471 = arith.constant 11.3137083 : f32
        %mul3A_472 = vector.broadcast %mul3A_471 : f32 to vector<16xf32>
        %mul3A_473 = arith.mulf %get3A_470, %mul3A_472 : vector<16xf32>
        %add3A_474 = arith.constant 104 : i32
        %add3A_475 = arith.addi %add3A_474, %add3A_359 : i32
        %get3A_476 = arith.index_cast %add3A_475 : i32 to index
        %get3A_477 = arith.constant 80 : index
        %get3A_478 = tpu.vector_load %arg11[%get3A_476, %get3A_477] {strides = array<i32>} : memref<200x128xf32, #tpu.memory_space<vmem>>, vector<1x16xf32>,
        %get3A_479 = vector.shape_cast %get3A_478 : vector<1x16xf32> to vector<16xf32>
        %add3A_480 = arith.addf %mul3A_473, %get3A_479 : vector<16xf32>
        %swap3A_481 = arith.index_cast %add3A_359 : i32 to index
        %swap3A_482 = arith.constant 80 : index
        %swap3A_483 = tpu.vector_load %arg10[%swap3A_481, %swap3A_482] {strides = array<i32>} : memref<96x128xf32, #tpu.memory_space<vmem>>, vector<1x16xf32>,
        %swap3A_484 = vector.shape_cast %swap3A_483 : vector<1x16xf32> to vector<16xf32>
        %swap3A_485 = vector.shape_cast %add3A_480 : vector<16xf32> to vector<1x16xf32>
        tpu.vector_store %arg10[%swap3A_481, %swap3A_482], %swap3A_485 {strides = array<i32>} : memref<96x128xf32, #tpu.memory_space<vmem>>, vector<1x16xf32>,
        %add3A_486 = arith.constant 104 : i32
        %add3A_487 = arith.addi %add3A_486, %add3A_359 : i32
        %get3A_488 = arith.index_cast %add3A_487 : i32 to index
        %get3A_489 = arith.constant 96 : index
        %get3A_490 = tpu.vector_load %arg8[%get3A_488, %get3A_489] {strides = array<i32>} : memref<200x128xf32, #tpu.memory_space<vmem>>, vector<1x16xf32>,
        %get3A_491 = vector.shape_cast %get3A_490 : vector<1x16xf32> to vector<16xf32>
        %mul3A_492 = arith.constant 11.3137083 : f32
        %mul3A_493 = vector.broadcast %mul3A_492 : f32 to vector<16xf32>
        %mul3A_494 = arith.mulf %get3A_491, %mul3A_493 : vector<16xf32>
        %add3A_495 = arith.constant 104 : i32
        %add3A_496 = arith.addi %add3A_495, %add3A_359 : i32
        %get3A_497 = arith.index_cast %add3A_496 : i32 to index
        %get3A_498 = arith.constant 96 : index
        %get3A_499 = tpu.vector_load %arg11[%get3A_497, %get3A_498] {strides = array<i32>} : memref<200x128xf32, #tpu.memory_space<vmem>>, vector<1x16xf32>,
        %get3A_500 = vector.shape_cast %get3A_499 : vector<1x16xf32> to vector<16xf32>
        %add3A_501 = arith.addf %mul3A_494, %get3A_500 : vector<16xf32>
        %swap3A_502 = arith.index_cast %add3A_359 : i32 to index
        %swap3A_503 = arith.constant 96 : index
        %swap3A_504 = tpu.vector_load %arg10[%swap3A_502, %swap3A_503] {strides = array<i32>} : memref<96x128xf32, #tpu.memory_space<vmem>>, vector<1x16xf32>,
        %swap3A_505 = vector.shape_cast %swap3A_504 : vector<1x16xf32> to vector<16xf32>
        %swap3A_506 = vector.shape_cast %add3A_501 : vector<16xf32> to vector<1x16xf32>
        tpu.vector_store %arg10[%swap3A_502, %swap3A_503], %swap3A_506 {strides = array<i32>} : memref<96x128xf32, #tpu.memory_space<vmem>>, vector<1x16xf32>,
        %add3A_507 = arith.constant 104 : i32
        %add3A_508 = arith.addi %add3A_507, %add3A_359 : i32
        %get3A_509 = arith.index_cast %add3A_508 : i32 to index
        %get3A_510 = arith.constant 112 : index
        %get3A_511 = tpu.vector_load %arg8[%get3A_509, %get3A_510] {strides = array<i32>} : memref<200x128xf32, #tpu.memory_space<vmem>>, vector<1x16xf32>,
        %get3A_512 = vector.shape_cast %get3A_511 : vector<1x16xf32> to vector<16xf32>
        %mul3A_513 = arith.constant 11.3137083 : f32
        %mul3A_514 = vector.broadcast %mul3A_513 : f32 to vector<16xf32>
        %mul3A_515 = arith.mulf %get3A_512, %mul3A_514 : vector<16xf32>
        %add3A_516 = arith.constant 104 : i32
        %add3A_517 = arith.addi %add3A_516, %add3A_359 : i32
        %get3A_518 = arith.index_cast %add3A_517 : i32 to index
        %get3A_519 = arith.constant 112 : index
        %get3A_520 = tpu.vector_load %arg11[%get3A_518, %get3A_519] {strides = array<i32>} : memref<200x128xf32, #tpu.memory_space<vmem>>, vector<1x16xf32>,
        %get3A_521 = vector.shape_cast %get3A_520 : vector<1x16xf32> to vector<16xf32>
        %add3A_522 = arith.addf %mul3A_515, %get3A_521 : vector<16xf32>
        %swap3A_523 = arith.index_cast %add3A_359 : i32 to index
        %swap3A_524 = arith.constant 112 : index
        %swap3A_525 = tpu.vector_load %arg10[%swap3A_523, %swap3A_524] {strides = array<i32>} : memref<96x128xf32, #tpu.memory_space<vmem>>, vector<1x16xf32>,
        %swap3A_526 = vector.shape_cast %swap3A_525 : vector<1x16xf32> to vector<16xf32>
        %swap3A_527 = vector.shape_cast %add3A_522 : vector<16xf32> to vector<1x16xf32>
        tpu.vector_store %arg10[%swap3A_523, %swap3A_524], %swap3A_527 {strides = array<i32>} : memref<96x128xf32, #tpu.memory_space<vmem>>, vector<1x16xf32>,
      }
      %scan3A_170 = arith.constant 48 : i32
      %add3A_171 = arith.addi %mul3A_2, %add3A_128 : i32
      %dma_start3A_172 = arith.constant 104 : i32
      %dma_start3A_173 = arith.constant 0 : i32
      %dma_start3A_174 = tpu.memref_slice %arg5[%add3A_171, %dma_start3A_172, %dma_start3A_173] : memref<1024x200x128xf32, #tpu.memory_space<hbm>> -> memref<1x96x128xf32, #tpu.memory_space<hbm>>
      %dma_start3A_175 = tpu.memref_squeeze %dma_start3A_174 : memref<1x96x128xf32, #tpu.memory_space<hbm>> -> memref<96x128xf32, #tpu.memory_space<hbm>>
      %dma_start3A_176 = arith.constant 104 : i32
      %dma_start3A_177 = arith.constant 0 : i32
      %dma_start3A_178 = tpu.memref_slice %arg5[%add3A_171, %dma_start3A_176, %dma_start3A_177] : memref<1024x200x128xf32, #tpu.memory_space<hbm>> -> memref<1x96x128xf32, #tpu.memory_space<hbm>>
      %dma_start3A_179 = tpu.memref_squeeze %dma_start3A_178 : memref<1x96x128xf32, #tpu.memory_space<hbm>> -> memref<96x128xf32, #tpu.memory_space<hbm>>
      tpu.enqueue_dma source(%arg10 : memref<96x128xf32, #tpu.memory_space<vmem>>) target(%dma_start3A_179 : memref<96x128xf32, #tpu.memory_space<hbm>>) target_semaphore(%arg15 : memref<!tpu.dma_semaphore, #tpu.memory_space<semaphore_mem>>)
      %lt3A_180 = arith.constant 15 : i32
      %lt3A_181 = arith.cmpi slt, %scan3A_68, %lt3A_180 : i32
      %convert_element_type3A_182 = arith.extui %lt3A_181 : i1 to i32
      %cond3A_183 = arith.constant 0 : i32
      %cond3A_184 = arith.cmpi ne, %convert_element_type3A_182, %cond3A_183 : i32
      scf.if %cond3A_184 {
        %add3A_185 = arith.constant 2 : i32
        %add3A_186 = arith.addi %add3A_128, %add3A_185 : i32
        %dma_start3A_187 = arith.constant 1 : i32
        %dma_start3A_188 = arith.constant 100 : i32
        %dma_start3A_189 = arith.constant 0 : i32
        %dma_start3A_190 = tpu.memref_slice %arg8[%dma_start3A_188, %dma_start3A_189] : memref<200x128xf32, #tpu.memory_space<vmem>> -> memref<100x128xf32, #tpu.memory_space<vmem>>
        %dma_start3A_191 = arith.constant 0 : i32
        %dma_start3A_192 = tpu.memref_slice %arg6[%add3A_186, %dma_start3A_187, %dma_start3A_191] : memref<32x2x100xi32, #tpu.memory_space<vmem>> -> memref<1x1x100xi32, #tpu.memory_space<vmem>>
        %dma_start3A_193 = tpu.memref_squeeze %dma_start3A_192 : memref<1x1x100xi32, #tpu.memory_space<vmem>> -> memref<100xi32, #tpu.memory_space<vmem>>
        %dma_start3A_194 = arith.constant 0 : i32
        %dma_start3A_195 = arith.constant 0 : i32
        %dma_start3A_196 = tpu.memref_slice %arg4[%dma_start3A_194, %dma_start3A_195] : memref<100000x128xf32, #tpu.memory_space<hbm>> -> memref<100000x128xf32, #tpu.memory_space<hbm>>
        tpu.enqueue_indirect_dma source(%dma_start3A_196 : memref<100000x128xf32, #tpu.memory_space<hbm>>) target(%dma_start3A_190 : memref<100x128xf32, #tpu.memory_space<vmem>>) offsets(%dma_start3A_193 : memref<100xi32, #tpu.memory_space<vmem>>) semaphore(%arg13 : memref<!tpu.dma_semaphore, #tpu.memory_space<semaphore_mem>>)
      } else {
      }
    }
    %scan3A_50 = arith.constant 16 : i32
    %dma_wait3A = arith.constant 0 : i32
    %dma_wait3A_51 = arith.constant 0 : i32
    %dma_wait3A_52 = arith.constant 0 : i32
    %dma_wait3A_53 = tpu.memref_slice %arg5[%dma_wait3A, %dma_wait3A_51, %dma_wait3A_52] : memref<1024x200x128xf32, #tpu.memory_space<hbm>> -> memref<1x104x128xf32, #tpu.memory_space<hbm>>
    %dma_wait3A_54 = tpu.memref_squeeze %dma_wait3A_53 : memref<1x104x128xf32, #tpu.memory_space<hbm>> -> memref<104x128xf32, #tpu.memory_space<hbm>>
    %dma_wait3A_55 = arith.constant 0 : i32
    %dma_wait3A_56 = arith.constant 0 : i32
    %dma_wait3A_57 = tpu.memref_slice %arg5[%dma_wait3A, %dma_wait3A_55, %dma_wait3A_56] : memref<1024x200x128xf32, #tpu.memory_space<hbm>> -> memref<1x104x128xf32, #tpu.memory_space<hbm>>
    %dma_wait3A_58 = tpu.memref_squeeze %dma_wait3A_57 : memref<1x104x128xf32, #tpu.memory_space<hbm>> -> memref<104x128xf32, #tpu.memory_space<hbm>>
    tpu.wait_dma2 semaphore(%arg14 : memref<!tpu.dma_semaphore, #tpu.memory_space<semaphore_mem>>) src(%arg9 : memref<104x128xf32, #tpu.memory_space<vmem>>) dst(%dma_wait3A_58 : memref<104x128xf32, #tpu.memory_space<hbm>>)
    %dma_wait3A_59 = arith.constant 0 : i32
    %dma_wait3A_60 = arith.constant 104 : i32
    %dma_wait3A_61 = arith.constant 0 : i32
    %dma_wait3A_62 = tpu.memref_slice %arg5[%dma_wait3A_59, %dma_wait3A_60, %dma_wait3A_61] : memref<1024x200x128xf32, #tpu.memory_space<hbm>> -> memref<1x96x128xf32, #tpu.memory_space<hbm>>
    %dma_wait3A_63 = tpu.memref_squeeze %dma_wait3A_62 : memref<1x96x128xf32, #tpu.memory_space<hbm>> -> memref<96x128xf32, #tpu.memory_space<hbm>>
    %dma_wait3A_64 = arith.constant 104 : i32
    %dma_wait3A_65 = arith.constant 0 : i32
    %dma_wait3A_66 = tpu.memref_slice %arg5[%dma_wait3A_59, %dma_wait3A_64, %dma_wait3A_65] : memref<1024x200x128xf32, #tpu.memory_space<hbm>> -> memref<1x96x128xf32, #tpu.memory_space<hbm>>
    %dma_wait3A_67 = tpu.memref_squeeze %dma_wait3A_66 : memref<1x96x128xf32, #tpu.memory_space<hbm>> -> memref<96x128xf32, #tpu.memory_space<hbm>>
    tpu.wait_dma2 semaphore(%arg15 : memref<!tpu.dma_semaphore, #tpu.memory_space<semaphore_mem>>) src(%arg10 : memref<96x128xf32, #tpu.memory_space<vmem>>) dst(%dma_wait3A_67 : memref<96x128xf32, #tpu.memory_space<hbm>>)
    return
  }
}

</mosaic_0001>

<sc_bundles>
// kernel: kernel.3.cloned.1.call-start
scs
__scs_entry_jumppad:
0x0: {  	(pc) =	sbr.rel $0x88, $3  }
0x1: {  	(tag) =	ssettag $0x0;
	lr =	simm.s32 $0x1  }
0x2: {  	[smem:$0x3F9F] =	sst lr;
	_ =	strace $0xD0000000  }
0x3: {  	_ = 	snop  }
0x4: {  	_ = 	snop  }
0x5: {  	_ = 	snop  }
0x6: {  	_ = 	snop  }
0x7: {  	_ = 	snop  }
__scs_overlays_trampoline_lowered:
0x8: {  	[smem:$0x3FAE] =	sst s0  }
0x9: {  	[smem:$0x3FAF] =	sst s1  }
0xa: {  	[smem:$0x3FB0] =	sst s2  }
0xb: {  	[smem:$0x3FB1] =	sst s3  }
0xc: {  	[smem:$0x3FB2] =	sst s4  }
0xd: {  	[smem:$0x3FB3] =	sst s5  }
0xe: {  	[smem:$0x3FB4] =	sst s6  }
0xf: {  	[smem:$0x3FB5] =	sst s7  }
0x10: {  	[smem:$0x3FB6] =	sst s8  }
0x11: {  	[smem:$0x3FB7] =	sst s9;
	s0 =	simm.s32 @!p0 $0x0  }
0x12: {  	s1 =	sld [smem:$0x3F9D];
	s0 =	simm.s32 @p0 $0x1  }
0x13: {  	[smem:$0x3FB8] =	sst s0;
	s0 =	simm.s32 @!p1 $0x0  }
0x14: {  	s2 =	sld [smem:$0x3F9C];
	s0 =	simm.s32 @p1 $0x1  }
0x15: {  	[smem:$0x3FB9] =	sst s0;
	s0 =	simm.s32 @!p2 $0x0  }
0x16: {  	s3 =	sld [smem:$0x3FDB];
	s0 =	simm.s32 @p2 $0x1  }
0x17: {  	s4 =	simm.s32 $0x1BF5;
	[smem:$0x3FBB] =	sst s0  }
0x18: {  	s0 =	sld [smem:$0x3F9E];
	_ =	swait.ge [sflag:s4], $0x0  }
0x19: {  	s7 =	sld [smem:$0x3F9F]  }
0x1a: {  	s8 =	sadd.s32 $0xFFFFE003, lr  }
0x1b: {  	s9 =	sadd.s32 $0xFFFFFEF7, lr;
	s5 =	simm.s32 $0xFFFFFFFF;
	p2 =	slt.u32 s8, $0xFFFFF086  }
0x1c: {  	p1 =	slt.u32 s9, $0xF7A;
	s5 =	simm.s32 @!p2 $0x0  }
0x1d: {  	s5 =	simm.s32 @p1 $0x1;
	p0 =	seq.s32 s7, s2  }
0x1e: {  	s7 =	smul.u32 @!p0 $0xF7A, s2;
	p2 =	seq.s32 @!p0 s5, $0x0  }
0x1f: {  	s9 =	smul.u32 $0xF7A, s1;
	s8 =	simm.s32 @!p0 $0x1BF5;
	p2 =	por !p2, p0  }
0x20: {  	[sflag:s8] =	ssyncset.s32 @!p0 $0xFFFFF086;
	s6 =	sadd.s32 @!p0 s3, s7;
	s7 =	simm.s32 @!p0 $0x108  }
0x21: {  	s3 =	sadd.s32 s3, s9;
	s6 =	sadd.s32 @!p0 $0x88, s6;
	s7 =	simm.s32 @p2 $0x1082  }
0x22: {  	[simem:s7], [sflag:s8] =	dma.local @!p0 [hbm:s6], $0xF7A  }
0x23: {  	s9 =	sor.u32 $0xD0000000, s2;
	s6 =	simm.s32 $0x108;
	_ =	swait.ge @!p0 [sflag:s8], $0x0  }
0x24: {  	s3 =	sadd.s32 $0x88, s3;
	s6 =	simm.s32 @!p1 $0x1082;
	[sflag:s4] =	ssyncset.s32 $0xFFFFF086  }
0x25: {  	[simem:s6], [sflag:s4] =	dma.local [hbm:s3], $0xF7A  }
0x26: {  	[smem:$0x3F9F] =	sst s1;
	(tag) =	ssettag s2;
	_ =	strace s9  }
0x27: {  	s1 =	sld [smem:$0x3FAF]  }
0x28: {  	s2 =	sld [smem:$0x3FB0]  }
0x29: {  	s4 =	sld [smem:$0x3FB2]  }
0x2a: {  	p0 =	seq.s32 s5, $0x0;
	s5 =	sld [smem:$0x3FB3]  }
0x2b: {  	s6 =	sld [smem:$0x3FB4]  }
0x2c: {  	s7 =	sld [smem:$0x3FB5]  }
0x2d: {  	s3 =	simm.s32 $0x108;
	s8 =	sld [smem:$0x3FB6]  }
0x2e: {  	s3 =	simm.s32 @!p0 $0x1082;
	s9 =	sld [smem:$0x3FB7]  }
0x2f: {  	lr =	sadd.s32 s0, s3;
	s0 =	sld [smem:$0x3FAE]  }
0x30: {  	s3 =	sld [smem:$0x3FB1]  }
0x31: {  	[smem:$0x3FBA] =	sst s10  }
0x32: {  	s10 =	sld [smem:$0x3FB8];
	_ =	sdelay $0x3  }
0x33: {  	p0 =	seq.s32 s10, $0x1;
	s10 =	sld [smem:$0x3FBA];
	_ =	sdelay $0x3  }
0x34: {  	[smem:$0x3FBA] =	sst s10  }
0x35: {  	s10 =	sld [smem:$0x3FB9];
	_ =	sdelay $0x3  }
0x36: {  	p1 =	seq.s32 s10, $0x1;
	s10 =	sld [smem:$0x3FBA];
	_ =	sdelay $0x3  }
0x37: {  	[smem:$0x3FBA] =	sst s10  }
0x38: {  	s10 =	sld [smem:$0x3FBB]  }
0x39: {  	_ = 	snop;
	(pc) =	sbr.ind lr, $3  }
0x3a: {  	_ = 	snop  }
0x3b: {  	_ = 	snop  }
0x3c: {  	p2 =	seq.s32 s10, $0x1;
	s10 =	sld [smem:$0x3FBA]  }
0x3d: {  	_ =	shalt  }
0x3e: {  	_ =	shalt  }
0x3f: {  	_ =	shalt  }
0x40: {  	_ =	shalt  }
0x41: {  	_ =	shalt  }
0x42: {  	_ =	shalt  }
0x43: {  	_ =	shalt  }
0x44: {  	_ =	shalt  }
0x45: {  	_ =	shalt  }
0x46: {  	_ =	shalt  }
0x47: {  	_ =	shalt  }
0x48: {  	_ =	shalt  }
0x49: {  	_ =	shalt  }
0x4a: {  	_ =	shalt  }
0x4b: {  	_ =	shalt  }
0x4c: {  	_ =	shalt  }
0x4d: {  	_ =	shalt  }
0x4e: {  	_ =	shalt  }
0x4f: {  	_ =	shalt  }
0x50: {  	_ =	shalt  }
0x51: {  	_ =	shalt  }
0x52: {  	_ =	shalt  }
0x53: {  	_ =	shalt  }
0x54: {  	_ =	shalt  }
0x55: {  	_ =	shalt  }
0x56: {  	_ =	shalt  }
0x57: {  	_ =	shalt  }
0x58: {  	_ =	shalt  }
0x59: {  	_ =	shalt  }
0x5a: {  	_ =	shalt  }
0x5b: {  	_ =	shalt  }
0x5c: {  	_ =	shalt  }
0x5d: {  	_ =	shalt  }
0x5e: {  	_ =	shalt  }
0x5f: {  	_ =	shalt  }
0x60: {  	_ =	shalt  }
0x61: {  	_ =	shalt  }
0x62: {  	_ =	shalt  }
0x63: {  	_ =	shalt  }
0x64: {  	_ =	shalt  }
0x65: {  	_ =	shalt  }
0x66: {  	_ =	shalt  }
0x67: {  	_ =	shalt  }
0x68: {  	_ =	shalt  }
0x69: {  	_ =	shalt  }
0x6a: {  	_ =	shalt  }
0x6b: {  	_ =	shalt  }
0x6c: {  	_ =	shalt  }
0x6d: {  	_ =	shalt  }
0x6e: {  	_ =	shalt  }
0x6f: {  	_ =	shalt  }
0x70: {  	_ =	shalt  }
0x71: {  	_ =	shalt  }
0x72: {  	_ =	shalt  }
0x73: {  	_ =	shalt  }
0x74: {  	_ =	shalt  }
0x75: {  	_ =	shalt  }
0x76: {  	_ =	shalt  }
0x77: {  	_ =	shalt  }
0x78: {  	_ =	shalt  }
0x79: {  	_ =	shalt  }
0x7a: {  	_ =	shalt  }
0x7b: {  	_ =	shalt  }
0x7c: {  	_ =	shalt  }
0x7d: {  	_ =	shalt  }
0x7e: {  	_ =	shalt  }
0x7f: {  	_ =	shalt  }
0x80: {  	_ =	shalt  }
0x81: {  	_ =	shalt  }
0x82: {  	_ =	shalt  }
0x83: {  	_ =	shalt  }
0x84: {  	_ =	shalt  }
0x85: {  	_ =	shalt  }
0x86: {  	_ =	shalt  }
0x87: {  	_ =	shalt  }
.Lfunc_end0:
.L_simem_size_0:
called_computation_lowered:
.L_overlay_start_0:
0x88: {  	s2 =	sld [smem:$0x3FD9]  }
0x89: {  	s3 =	sld [smem:$0x3FFE];
	_ =	sdelay $0x1  }
0x8a: {  	s1 =	srdreg.scid  }
0x8b: {  	s0 =	sand.u32 $0x1, s1  }
0x8c: {  	s17 =	sshll.u32 s0, $0xA;
	s2 =	sadd.s32 s3, s2  }
0x8d: {  	s2 =	sadd.s32 s2, s17  }
0x8e: {  	[smem:$0x3FC6] =	sst s2  }
0x8f: {  	_ = 	snop  }
0x90: {  	s2 =	sld [smem:$0x3FC8]  }
0x91: {  	s18 =	sld [smem:$0x3FD0];
	(tm) =	ssettm $0x1  }
0x92: {  	s4 =	sld [smem:$0x3FFB];
	_ =	sdelay $0x3  }
0x93: {  	_ =	strace s4  }
0x94: {  	s4 =	sld [smem:$0x3FFC];
	_ =	sdelay $0x3  }
0x95: {  	_ =	strace s4  }
0x96: {  	s4 =	sld [smem:$0x3FFD];
	_ =	sdelay $0x3  }
0x97: {  	_ =	strace s4  }
0x98: {  	_ =	strace $0x8FFFFFFF  }
0x99: {  	s19 =	sld [smem:$0x3FDB];
	_ =	sdelay $0x1  }
0x9a: {  	s5 =	simm.s32 $_scs_section_size  }
0x9b: {  	s6 =	simm.s32 $_size__tile_overlayer_lowered;
	s7 =	simm.s32 $_tile_overlayer_lowered  }
0x9c: {  	s22 =	simm.s32 $0x1BFF;
	s21 =	sshll.u32 s7, $0x1;
	s4 =	sadd.s32 s5, s19  }
0x9d: {  	s8 =	simm.s32 $0x0;
	s20 =	sshll.u32 s6, $0x1;
	s6 =	sadd.s32 s21, s4  }
0x9e: {  	[timem:s8], [sflag:s22] =	dma.local [hbm:s6], s20  }
0x9f: {  	_ =	swait.ge [sflag:s22], s20  }
0xa0: {  	s5 =	ssub.s32 $0x0, s20;
	[sflag:s22] =	ssyncset.done $0x0  }
0xa1: {  	[sflag:s22] =	ssyncadd.s32 s5;
	_ =	sdelay $0x1  }
0xa2: {  	s23 =	simm.s32 $0x1B8B  }
0xa3: {  	_ =	swait.ge [sflag:s23], $0x1  }
0xa4: {  	[sflag:s23] =	ssyncset.done $0x0  }
0xa5: {  	s25 =	simm.s32 $0x1B8E;
	s24 =	sld [smem:$0x3FFE];
	[sflag:s23] =	ssyncadd.s32 $0xFFFFFFFF  }
0xa6: {  	s26 =	simm.s32 $execute0_lowered;
	[smem:$0x3FD2] =	sst s25  }
0xa7: {  	s6 =	sshll.u32 s26, $0x1;
	_ =	strace $0x80000046;
	[dreg:$0x1] =	wrdreg $0xFFFFFFFF  }
0xa8: {  	s28 =	simm.s32 $_size_execute0_lowered;
	s4 =	sadd.s32 s4, s6;
	[dreg:$0x0] =	wrdreg $0x0  }
0xa9: {  	s6 =	sshll.u32 s28, $0x1;
	[dreg:$0x2] =	wrdreg s4  }
0xaa: {  	[dreg:$0x3] =	wrdreg s6  }
0xab: {  	[dreg:$0x4] =	wrdreg $0xC0  }
0xac: {  	_ =	task [dreg:s8], $0x5FFFF  }
0xad: {  	[dreg:$0x1] =	wrdreg $0xFFFFFFFF  }
0xae: {  	[dreg:$0x0] =	wrdreg $0x60  }
0xaf: {  	[dreg:$0x2] =	wrdreg s24  }
0xb0: {  	[dreg:$0x3] =	wrdreg s2  }
0xb1: {  	[dreg:$0x4] =	wrdreg s18  }
0xb2: {  	[dreg:$0x5] =	wrdreg $0x9  }
0xb3: {  	_ =	task.clear_ibuf [dreg:s8], $0x6FFFF;
	_ =	strace $0x90000046  }
0xb4: {  	s29 =	simm.s32 $0x9;
	_ =	strace $0x80000048  }
0xb5: {  	_ =	swait.ge [sflag:s29], $0x1  }
0xb6: {  	[sflag:s29] =	ssyncadd.s32 $0xFFFFFFFF  }
0xb7: {  	_ =	strace $0x90000048  }
0xb8: {  	_ =	sfence  }
0xb9: {  	s30 =	sld [smem:$0x0];
	_ =	sdelay $0x2  }
0xba: {  	s31 =	sshll.u32 s1, $0xD;
	s1 =	sshrl.u32 s1, $0x2  }
0xbb: {  	s3 =	sand.u32 $0x4000, s31;
	s1 =	sadd.s32 s1, s30  }
0xbc: {  	s0 =	sor.u32 s3, s0;
	s1 =	sshll.u32 s1, $0x11  }
0xbd: {  	s0 =	sor.u32 s1, s0  }
0xbe: {  	s0 =	sadd.s32 $0x8F2B, s0  }
0xbf: {  	[sflag:s0] =	ssyncadd.remote.s32 $0x1  }
0xc0: {  	_ =	sfence.sel $0xFFFF  }
0xc1: {  	[dreg:$0x0] =	wrdreg $0xFFFFFFFF;
	(pc) =	sbr.abs _section_cstart, $3  }
0xc2: {  	[dreg:$0x1] =	wrdreg $0xFFFFFFFF  }
0xc3: {  	_ =	task.clear_ibuf [dreg:s8], $0x2FFFF;
	_ =	strace $0x9FFFFFFF  }
0xc4: {  	(tm) =	ssettm $0x7FFFFFFF  }
0xc5: {  	_ =	shalt  }
tec
execute0_lowered:
.L_overlay_start_1:
0x0: {  	(tag) =	ssettag $0x1  }
0x1: {  	s0 =	rddreg [dreg:$0x0]  }
0x2: {  	s2 =	rddreg [dreg:$0x1]  }
0x3: {  	s3 =	rddreg [dreg:$0x2]  }
0x4: {  	s5 =	srdreg.scid;
	s1 =	stileid.u32  }
0x5: {  	s4 =	simm.s32 $0x0;
	s9 =	simm.s32 $0x14C00;
	s10 =	simm.s32 $0x5  }
0x6: {  	s11 =	simm.s32 $0x64;
	s12 =	simm.s32 $0x2000;
	s13 =	simm.s32 $0x80  }
0x7: {  	s14 =	simm.s32 $0x5200;
	s15 =	simm.s32 $0x100;
	s16 =	simm.s32 $0x8400  }
0x8: {  	s17 =	simm.s32 $0x180;
	s18 =	simm.s32 $0xB600;
	s19 =	simm.s32 $0x1  }
0x9: {  	s20 =	simm.s32 $0xE800;
	s21 =	simm.s32 $0x11C00;
	s22 =	simm.s32 $0x2  }
0xa: {  	s23 =	simm.s32 $0x3;
	s24 =	simm.s32 $0x4;
	s25 =	simm.s32 $0x0  }
.Ltmp0:
0xb: {  	s5 =	sand.u32 $0x1, s5;
	s6 =	sshll.u32 s1, $0x1;
	(pc) =	sbr.rel .LBB2_1-.Ltmp0, $4  }
0xc: {  	[smem:$0x7FF] =	sst s4;
	s6 =	sor.u32 s5, s6;
	s8 =	ssub.s32 $0x2, s5  }
0xd: {  	_ =	strace $0x80000047;
	s7 =	sshll.u32 s6, $0xA;
	s31 =	sshrl.u32 s8, $0x1  }
0xe: {  	s5 =	sadd.s32 $0x8400, s0;
	s7 =	sadd.s32 s7, s0;
	s0 =	ssub.s32 s8, s31  }
0xf: {  	s6 =	sshll.u32 s6, $0x5;
	s7 =	sadd.s32 $0x400, s7;
	s8 =	smax.u32 s0, $0x1  }
.LBB2_12:
0x10: {  	s25 =	sadd.s32 $0x1, s25  }
0x11: {  	_ =	swait.ge [sflag:s23], $0x3400;
	p0 =	sne.s32 s25, s8  }
.Ltmp1:
0x12: {  	[sflag:s23] =	ssyncset.done $0x0;
	(pc) =	sbr.rel @!p0 .LBB2_13-.Ltmp1, $4  }
0x13: {  	[sflag:s23] =	ssyncadd.s32 $0xFFFFCC00  }
0x14: {  	_ =	swait.ge [sflag:s24], $0x3000  }
0x15: {  	[sflag:s24] =	ssyncset.done $0x0  }
0x16: {  	[sflag:s24] =	ssyncadd.s32 $0xFFFFD000  }
.LBB2_1:
0x17: {  	[tilespmem:s9], [sflag:$0x5] =	stream.linear.gather [hbm4b:s5+s4], $0x6400, $0x38;
	[tilespmem:$0x1B000] =	vst v63  }
0x18: {  	_ =	swait.ge [sflag:s10], $0x6400  }
0x19: {  	[sflag:s10] =	ssyncset.done $0x0  }
0x1a: {  	[sflag:s10] =	ssyncadd.s32 $0xFFFF9C00  }
0x1b: {  	[tilespmem:s4], [sflag:$0x5] =	stream.linear.gather [hbm4b:s7+s4], $0x2000, $0x38;
	[tilespmem:$0x1B000] =	vst v63  }
0x1c: {  	_ =	swait.ge [sflag:s10], $0x2000  }
0x1d: {  	[sflag:s10] =	ssyncset.done $0x0  }
0x1e: {  	[sflag:s10] =	ssyncadd.s32 $0xFFFFE000  }
0x1f: {  	[tilespmem:s12], [sflag:$0x1] =	stream.indirect.gather [hbm4b:s2+s11], $0x80, s4, s11, $0xb8;
	[tilespmem:$0x1B000] =	vst v63  }
0x20: {  	_ = 	snop  }
0x21: {  	[tilespmem:s14], [sflag:$0x1] =	stream.indirect.gather [hbm4b:s2+s11], $0x80, s13, s11, $0xb8;
	[tilespmem:$0x1B000] =	vst v63  }
0x22: {  	_ = 	snop  }
0x23: {  	[tilespmem:s16], [sflag:$0x2] =	stream.indirect.gather [hbm4b:s2+s11], $0x80, s15, s11, $0xb8;
	[tilespmem:$0x1B000] =	vst v63  }
0x24: {  	s26 =	simm.s32 $0x0  }
0x25: {  	[tilespmem:s18], [sflag:$0x2] =	stream.indirect.gather [hbm4b:s2+s11], $0x80, s17, s11, $0xb8;
	[tilespmem:$0x1B000] =	vst v63  }
.LBB2_2:
0x26: {  	_ =	swait.ge [sflag:s19], $0x6400  }
0x27: {  	p0 =	seq.s32 s26, $0x0;
	[sflag:s19] =	ssyncset.done $0x0  }
0x28: {  	s0 =	simm.s32 @!p0 $0x3;
	[sflag:s19] =	ssyncadd.s32 $0xFFFF9C00  }
0x29: {  	_ =	swait.ge @!p0 [sflag:s0], $0x3400  }
0x2a: {  	[sflag:s0] =	ssyncset.done @!p0 $0x0  }
0x2b: {  	s29 =	simm.s32 $0xF0;
	[sflag:s0] =	ssyncadd.s32 @!p0 $0xFFFFCC00  }
0x2c: {  	v0 =	vld [tilespmem:s29+$0x2000]  }
0x2d: {  	v1 =	vld [tilespmem:s29+$0x1F10]  }
0x2e: {  	v2 =	vld [tilespmem:s29+$0x14C00]  }
0x2f: {  	v3 =	vld [tilespmem:s29+$0x1F20]  }
0x30: {  	v4 =	vld [tilespmem:s29+$0x1F30]  }
0x31: {  	v5 =	vld [tilespmem:s29+$0x1F40]  }
0x32: {  	v6 =	vld [tilespmem:s29+$0x1F50]  }
0x33: {  	v7 =	vld [tilespmem:s29+$0x1F60]  }
0x34: {  	v8 =	vld [tilespmem:s29+$0x1F80]  }
0x35: {  	v9 =	vld [tilespmem:s29+$0x1FA0]  }
0x36: {  	v10 =	vld [tilespmem:s29+$0x1FB0]  }
0x37: {  	v11 =	vld [tilespmem:s29+$0x1FC0]  }
0x38: {  	v12 =	vld [tilespmem:s29+$0x1FD0]  }
0x39: {  	v13 =	vld [tilespmem:s29+$0x1FE0]  }
0x3a: {  	v14 =	vld [tilespmem:s29+$0x1FF0]  }
0x3b: {  	v15 =	vld [tilespmem:s29+$0x14B10]  }
0x3c: {  	v16 =	vld [tilespmem:s29+$0x14B20]  }
0x3d: {  	v17 =	vld [tilespmem:s29+$0x14B30]  }
0x3e: {  	v18 =	vld [tilespmem:s29+$0x14B40];
	v0 =	vmul.f32 $1.131370830e+01, v0  }
0x3f: {  	v19 =	vld [tilespmem:s29+$0x14B50];
	v3 =	vmul.f32 $1.131370830e+01, v3  }
0x40: {  	v60 =	vld [tilespmem:s29+$0x14B60];
	v1 =	vmul.f32 $1.131370830e+01, v1;
	v0 =	vadd.f32 v2, v0  }
0x41: {  	v4 =	vmul.f32 $1.131370830e+01, v4;
	v2 =	vld [tilespmem:s29+$0x1F70];
	v3 =	vadd.f32 v16, v3  }
0x42: {  	v20 =	vld [tilespmem:s29+$0x14B70];
	v5 =	vmul.f32 $1.131370830e+01, v5;
	v1 =	vadd.f32 v15, v1;
	[tilespmem:s29+$0xE800] =	vst v0  }
0x43: {  	v4 =	vadd.f32 v17, v4;
	v0 =	vld [tilespmem:s29+$0x1F90];
	[tilespmem:s29+$0xE720] =	vst v3;
	v3 =	vmul.f32 $1.131370830e+01, v6  }
0x44: {  	v5 =	vadd.f32 v18, v5;
	[tilespmem:s29+$0xE710] =	vst v1;
	v1 =	vld [tilespmem:s29+$0x14B80]  }
0x45: {  	v61 =	vld [tilespmem:s29+$0x14B90];
	[tilespmem:s29+$0xE730] =	vst v4;
	v4 =	vmul.f32 $1.131370830e+01, v7;
	v3 =	vadd.f32 v19, v3  }
0x46: {  	v62 =	vld [tilespmem:s29+$0x14BA0];
	[tilespmem:s29+$0xE740] =	vst v5;
	v2 =	vmul.f32 $1.131370830e+01, v2  }
0x47: {  	v5 =	vld [tilespmem:s29+$0x14BB0];
	v4 =	vadd.f32 v60, v4;
	[tilespmem:s29+$0xE750] =	vst v3;
	v3 =	vmul.f32 $1.131370830e+01, v8  }
0x48: {  	v6 =	vld [tilespmem:s29+$0x14BC0];
	v2 =	vadd.f32 v20, v2;
	v63 =	vmul.f32 $1.131370830e+01, v0  }
0x49: {  	v9 =	vmul.f32 $1.131370830e+01, v9;
	v7 =	vld [tilespmem:s29+$0x14BD0];
	[tilespmem:s29+$0xE760] =	vst v4;
	v4 =	vmul.f32 $1.131370830e+01, v10;
	v0 =	vadd.f32 v1, v3  }
0x4a: {  	v8 =	vld [tilespmem:s29+$0x14BE0];
	v3 =	vmul.f32 $1.131370830e+01, v11;
	v1 =	vmul.f32 $1.131370830e+01, v13;
	[tilespmem:s29+$0xE770] =	vst v2;
	v10 =	vadd.f32 v61, v63  }
0x4b: {  	s28 =	sshll.u32 s26, $0x1;
	s30 =	simm.s32 $0x1F0;
	s31 =	simm.s32 $0xBC0;
	v11 =	vadd.f32 v62, v9;
	v9 =	vld [tilespmem:s29+$0x14BF0];
	v2 =	vmul.f32 $1.131370830e+01, v12;
	[tilespmem:s29+$0xE780] =	vst v0;
	v0 =	vmul.f32 $1.131370830e+01, v14  }
.LBB2_3:
0x4c: {  	p0 =	sne.s32 s31, $0xCFC0;
	v12 =	vld [tilespmem:s30+$0x2000];
	[tilespmem:s29+$0xE790] =	vst v10;
	v4 =	vadd.f32 v5, v4  }
0x4d: {  	v5 =	vld [tilespmem:s30+$0x1F10];
	[tilespmem:s29+$0xE7A0] =	vst v11;
	v3 =	vadd.f32 v6, v3  }
0x4e: {  	v6 =	vld [tilespmem:s30+$0x14C00];
	[tilespmem:s29+$0xE7B0] =	vst v4;
	v2 =	vadd.f32 v7, v2  }
0x4f: {  	v4 =	vld [tilespmem:s30+$0x1F20];
	[tilespmem:s29+$0xE7C0] =	vst v3;
	v1 =	vadd.f32 v8, v1  }
0x50: {  	v3 =	vld [tilespmem:s30+$0x1F30];
	[tilespmem:s29+$0xE7D0] =	vst v2;
	v0 =	vadd.f32 v9, v0  }
0x51: {  	v2 =	vld [tilespmem:s30+$0x1F40];
	v7 =	vmul.f32 $1.131370830e+01, v12;
	[tilespmem:s29+$0xE7E0] =	vst v1  }
0x52: {  	v5 =	vmul.f32 $1.131370830e+01, v5;
	v1 =	vld [tilespmem:s30+$0x1F50];
	[tilespmem:s29+$0xE7F0] =	vst v0;
	s29 =	smov.u32 s30  }
0x53: {  	v0 =	vld [tilespmem:s29+$0x1F60];
	v6 =	vadd.f32 v6, v7  }
0x54: {  	v7 =	vmul.f32 $1.131370830e+01, v4;
	v4 =	vld [tilespmem:s29+$0x1F70]  }
0x55: {  	v8 =	vmul.f32 $1.131370830e+01, v3;
	v3 =	vld [tilespmem:s29+$0x1F80];
	[tilespmem:s29+$0xE800] =	vst v6  }
0x56: {  	v6 =	vmul.f32 $1.131370830e+01, v2;
	v2 =	vld [tilespmem:s29+$0x1F90]  }
0x57: {  	v9 =	vmul.f32 $1.131370830e+01, v1;
	v1 =	vld [tilespmem:s29+$0x1FA0]  }
0x58: {  	v10 =	vmul.f32 $1.131370830e+01, v0;
	v0 =	vld [tilespmem:s29+$0x1FB0]  }
0x59: {  	v11 =	vmul.f32 $1.131370830e+01, v4;
	v12 =	vld [tilespmem:s29+$0x1FC0]  }
0x5a: {  	v13 =	vmul.f32 $1.131370830e+01, v3;
	v14 =	vld [tilespmem:s29+$0x1FD0]  }
0x5b: {  	v15 =	vmul.f32 $1.131370830e+01, v2;
	v16 =	vld [tilespmem:s29+$0x1FE0]  }
0x5c: {  	v17 =	vmul.f32 $1.131370830e+01, v1;
	v18 =	vld [tilespmem:s29+$0x1FF0]  }
0x5d: {  	v19 =	vld [tilespmem:s29+$0x14B10];
	v4 =	vmul.f32 $1.131370830e+01, v0  }
0x5e: {  	v20 =	vld [tilespmem:s29+$0x14B20];
	v3 =	vmul.f32 $1.131370830e+01, v12  }
0x5f: {  	v12 =	vld [tilespmem:s29+$0x14B30];
	v2 =	vmul.f32 $1.131370830e+01, v14  }
0x60: {  	v14 =	vld [tilespmem:s29+$0x14B40];
	v1 =	vmul.f32 $1.131370830e+01, v16  }
0x61: {  	v16 =	vld [tilespmem:s29+$0x14B50];
	v0 =	vmul.f32 $1.131370830e+01, v18  }
0x62: {  	v5 =	vadd.f32 v19, v5;
	v18 =	vld [tilespmem:s29+$0x14B60]  }
0x63: {  	v7 =	vadd.f32 v20, v7;
	v19 =	vld [tilespmem:s29+$0x14B70]  }
0x64: {  	[tilespmem:s29+$0xE710] =	vst v5;
	v5 =	vadd.f32 v12, v8;
	v8 =	vld [tilespmem:s29+$0x14B80]  }
0x65: {  	[tilespmem:s29+$0xE720] =	vst v7;
	v6 =	vadd.f32 v14, v6;
	v12 =	vld [tilespmem:s29+$0x14B90]  }
0x66: {  	[tilespmem:s29+$0xE730] =	vst v5;
	v7 =	vadd.f32 v16, v9;
	v9 =	vld [tilespmem:s29+$0x14BA0]  }
.Ltmp2:
0x67: {  	[tilespmem:s29+$0xE740] =	vst v6;
	v10 =	vadd.f32 v18, v10;
	v5 =	vld [tilespmem:s29+$0x14BB0];
	(pc) =	sbr.rel @p0 .LBB2_3-.Ltmp2, $4  }
0x68: {  	[tilespmem:s29+$0xE750] =	vst v7;
	v11 =	vadd.f32 v19, v11;
	v6 =	vld [tilespmem:s29+$0x14BC0]  }
0x69: {  	[tilespmem:s29+$0xE760] =	vst v10;
	v13 =	vadd.f32 v8, v13;
	v7 =	vld [tilespmem:s29+$0x14BD0]  }
0x6a: {  	[tilespmem:s29+$0xE770] =	vst v11;
	v10 =	vadd.f32 v12, v15;
	v8 =	vld [tilespmem:s29+$0x14BE0]  }
0x6b: {  	s30 =	sshra.s32 s31, $0x2;
	s31 =	sadd.s32 $0x400, s31;
	[tilespmem:s29+$0xE780] =	vst v13;
	v11 =	vadd.f32 v9, v17;
	v9 =	vld [tilespmem:s29+$0x14BF0]  }
0x6c: {  	v12 =	vld [tilespmem:s30+$0x2000];
	[tilespmem:s29+$0xE790] =	vst v10;
	v4 =	vadd.f32 v5, v4  }
0x6d: {  	v10 =	vld [tilespmem:s30+$0x1F10];
	[tilespmem:s29+$0xE7A0] =	vst v11;
	v3 =	vadd.f32 v6, v3  }
0x6e: {  	v5 =	vld [tilespmem:s30+$0x14C00];
	[tilespmem:s29+$0xE7B0] =	vst v4;
	v2 =	vadd.f32 v7, v2  }
0x6f: {  	v4 =	vld [tilespmem:s30+$0x1F20];
	[tilespmem:s29+$0xE7C0] =	vst v3;
	v1 =	vadd.f32 v8, v1  }
0x70: {  	v3 =	vld [tilespmem:s30+$0x1F30];
	[tilespmem:s29+$0xE7D0] =	vst v2;
	v0 =	vadd.f32 v9, v0  }
0x71: {  	v2 =	vld [tilespmem:s30+$0x1F40];
	[tilespmem:s29+$0xE7E0] =	vst v1  }
0x72: {  	v6 =	vmul.f32 $1.131370830e+01, v12;
	v1 =	vld [tilespmem:s30+$0x1F50];
	[tilespmem:s29+$0xE7F0] =	vst v0  }
0x73: {  	v0 =	vld [tilespmem:s30+$0x1F60]  }
0x74: {  	v5 =	vadd.f32 v5, v6;
	v6 =	vld [tilespmem:s30+$0x1F70]  }
0x75: {  	v7 =	vld [tilespmem:s30+$0x1F80]  }
0x76: {  	v8 =	vld [tilespmem:s30+$0x1FA0]  }
0x77: {  	v9 =	vld [tilespmem:s30+$0x1FB0]  }
0x78: {  	v11 =	vld [tilespmem:s30+$0x1FC0]  }
0x79: {  	v49 =	vld [tilespmem:s30+$0x1FD0]  }
0x7a: {  	v13 =	vld [tilespmem:s30+$0x1FE0]  }
0x7b: {  	v14 =	vld [tilespmem:s30+$0x1FF0]  }
0x7c: {  	v15 =	vld [tilespmem:s30+$0x14B10]  }
0x7d: {  	v16 =	vld [tilespmem:s30+$0x14B20]  }
0x7e: {  	v17 =	vld [tilespmem:s30+$0x14B30]  }
0x7f: {  	v10 =	vmul.f32 $1.131370830e+01, v10;
	v18 =	vld [tilespmem:s30+$0x14B40]  }
0x80: {  	v19 =	vld [tilespmem:s30+$0x14B50];
	v4 =	vmul.f32 $1.131370830e+01, v4  }
0x81: {  	v50 =	vld [tilespmem:s30+$0x14B60];
	v3 =	vmul.f32 $1.131370830e+01, v3;
	v10 =	vadd.f32 v15, v10  }
0x82: {  	v20 =	vld [tilespmem:s30+$0x14B70];
	[tilespmem:s30+$0xE800] =	vst v5;
	v2 =	vmul.f32 $1.131370830e+01, v2;
	v4 =	vadd.f32 v16, v4  }
0x83: {  	v5 =	vld [tilespmem:s30+$0x1F90];
	v1 =	vmul.f32 $1.131370830e+01, v1;
	v3 =	vadd.f32 v17, v3;
	[tilespmem:s30+$0xE710] =	vst v10  }
0x84: {  	v2 =	vadd.f32 v18, v2;
	v0 =	vmul.f32 $1.131370830e+01, v0;
	v10 =	vld [tilespmem:s30+$0x14B80];
	[tilespmem:s30+$0xE720] =	vst v4  }
0x85: {  	v6 =	vmul.f32 $1.131370830e+01, v6;
	v1 =	vadd.f32 v19, v1;
	v4 =	vld [tilespmem:s30+$0x14B90];
	[tilespmem:s30+$0xE730] =	vst v3  }
0x86: {  	v3 =	vld [tilespmem:s30+$0x14BA0];
	[tilespmem:s30+$0xE740] =	vst v2;
	v0 =	vadd.f32 v50, v0  }
0x87: {  	v7 =	vmul.f32 $1.131370830e+01, v7;
	v2 =	vld [tilespmem:s30+$0x14BB0];
	v6 =	vadd.f32 v20, v6;
	[tilespmem:s30+$0xE750] =	vst v1  }
0x88: {  	v5 =	vmul.f32 $1.131370830e+01, v5;
	v1 =	vld [tilespmem:s30+$0x14BC0];
	[tilespmem:s30+$0xE760] =	vst v0  }
0x89: {  	v0 =	vld [tilespmem:s30+$0x14BD0];
	[tilespmem:s30+$0xE770] =	vst v6;
	v6 =	vmul.f32 $1.131370830e+01, v8;
	v7 =	vadd.f32 v10, v7  }
0x8a: {  	v9 =	vmul.f32 $1.131370830e+01, v9;
	v8 =	vld [tilespmem:s30+$0x14BE0];
	v4 =	vadd.f32 v4, v5  }
0x8b: {  	v5 =	vmul.f32 $1.131370830e+01, v11;
	v3 =	vadd.f32 v3, v6;
	v6 =	vld [tilespmem:s30+$0x14BF0];
	[tilespmem:s30+$0xE780] =	vst v7  }
0x8c: {  	v2 =	vadd.f32 v2, v9;
	v7 =	vmul.f32 $1.131370830e+01, v49;
	[tilespmem:s30+$0xE790] =	vst v4  }
0x8d: {  	s0 =	sor.u32 s6, s28;
	v4 =	vmul.f32 $1.131370830e+01, v13;
	[tilespmem:s30+$0xE7A0] =	vst v3;
	v1 =	vadd.f32 v1, v5  }
0x8e: {  	s0 =	smul.u32 $0x6400, s0;
	v3 =	vmul.f32 $1.131370830e+01, v14;
	[tilespmem:s30+$0xE7B0] =	vst v2;
	v0 =	vadd.f32 v0, v7  }
0x8f: {  	[tilespmem:s30+$0xE7C0] =	vst v1;
	v1 =	vadd.f32 v8, v4  }
0x90: {  	p0 =	seq.s32 s26, $0xF;
	s0 =	sshrl.u32 s0, $0x3;
	[tilespmem:s30+$0xE7D0] =	vst v0;
	v0 =	vadd.f32 v6, v3  }
0x91: {  	s28 =	sadd.s32 s3, s0;
	s0 =	sshll.u32 @!p0 s26, $0x9;
	[tilespmem:s30+$0xE7E0] =	vst v1  }
0x92: {  	p1 =	seq.s32 @!p0 s26, $0x0;
	s31 =	simm.s32 @!p0 $0x2000;
	s29 =	sand.u32 @!p0 $0x3FFFFE00, s0;
	[tilespmem:s30+$0xE7F0] =	vst v0  }
0x93: {  	[hbm4b:s28+s4] =	stream.linear.scatter [tilespmem:s20], [sflag:$0x3], $0x3400, $0x38;
	[tilespmem:$0x1B000] =	vst v63  }
0x94: {  	p1 =	por p0, !p1;
	s0 =	sadd.s32 @!p0 $0x200, s29;
	s30 =	simm.s32 @!p0 $0x64  }
0x95: {  	[tilespmem:s31], [sflag:$0x1] =	stream.indirect.gather @!p0 [hbm4b:s2+s30], $0x80, s0, s30, $0xb8;
	[tilespmem:$0x1B000] =	vst v63  }
0x96: {  	_ =	swait.ge @p1 [sflag:s24], $0x3000  }
0x97: {  	[sflag:s24] =	ssyncset.done @p1 $0x0  }
0x98: {  	s30 =	simm.s32 $0x0;
	[sflag:s24] =	ssyncadd.s32 @p1 $0xFFFFD000  }
0x99: {  	v0 =	vld [tilespmem:s30+$0x54F0]  }
0x9a: {  	v1 =	vld [tilespmem:s30+$0x5400]  }
0x9b: {  	v2 =	vld [tilespmem:s30+$0x180F0]  }
0x9c: {  	v3 =	vld [tilespmem:s30+$0x5410]  }
0x9d: {  	v4 =	vld [tilespmem:s30+$0x5420]  }
0x9e: {  	v5 =	vld [tilespmem:s30+$0x5430]  }
0x9f: {  	v6 =	vld [tilespmem:s30+$0x5440]  }
0xa0: {  	v7 =	vld [tilespmem:s30+$0x5450]  }
0xa1: {  	v8 =	vld [tilespmem:s30+$0x5470]  }
0xa2: {  	v9 =	vld [tilespmem:s30+$0x5490]  }
0xa3: {  	v10 =	vld [tilespmem:s30+$0x54A0]  }
0xa4: {  	v11 =	vld [tilespmem:s30+$0x54B0]  }
0xa5: {  	v51 =	vld [tilespmem:s30+$0x54C0]  }
0xa6: {  	v52 =	vld [tilespmem:s30+$0x54D0]  }
0xa7: {  	v53 =	vld [tilespmem:s30+$0x54E0]  }
0xa8: {  	v54 =	vld [tilespmem:s30+$0x18000]  }
0xa9: {  	v55 =	vld [tilespmem:s30+$0x18010]  }
0xaa: {  	v56 =	vld [tilespmem:s30+$0x18020]  }
0xab: {  	v57 =	vld [tilespmem:s30+$0x18030];
	v0 =	vmul.f32 $1.131370830e+01, v0  }
0xac: {  	v58 =	vld [tilespmem:s30+$0x18040];
	v3 =	vmul.f32 $1.131370830e+01, v3  }
0xad: {  	v59 =	vld [tilespmem:s30+$0x18050];
	v1 =	vmul.f32 $1.131370830e+01, v1;
	v0 =	vadd.f32 v2, v0  }
0xae: {  	v4 =	vmul.f32 $1.131370830e+01, v4;
	v2 =	vld [tilespmem:s30+$0x5460];
	v3 =	vadd.f32 v55, v3  }
0xaf: {  	v60 =	vld [tilespmem:s30+$0x18060];
	v5 =	vmul.f32 $1.131370830e+01, v5;
	v1 =	vadd.f32 v54, v1;
	[tilespmem:s30+$0x11CF0] =	vst v0  }
0xb0: {  	v4 =	vadd.f32 v56, v4;
	v0 =	vld [tilespmem:s30+$0x5480];
	[tilespmem:s30+$0x11C10] =	vst v3;
	v3 =	vmul.f32 $1.131370830e+01, v6  }
0xb1: {  	v5 =	vadd.f32 v57, v5;
	[tilespmem:s30+$0x11C00] =	vst v1;
	v1 =	vld [tilespmem:s30+$0x18070]  }
0xb2: {  	v61 =	vld [tilespmem:s30+$0x18080];
	[tilespmem:s30+$0x11C20] =	vst v4;
	v4 =	vmul.f32 $1.131370830e+01, v7;
	v3 =	vadd.f32 v58, v3  }
0xb3: {  	v62 =	vld [tilespmem:s30+$0x18090];
	[tilespmem:s30+$0x11C30] =	vst v5;
	v2 =	vmul.f32 $1.131370830e+01, v2  }
0xb4: {  	v5 =	vld [tilespmem:s30+$0x180A0];
	v4 =	vadd.f32 v59, v4;
	[tilespmem:s30+$0x11C40] =	vst v3;
	v3 =	vmul.f32 $1.131370830e+01, v8  }
0xb5: {  	v6 =	vld [tilespmem:s30+$0x180B0];
	v2 =	vadd.f32 v60, v2;
	v63 =	vmul.f32 $1.131370830e+01, v0  }
0xb6: {  	v9 =	vmul.f32 $1.131370830e+01, v9;
	v7 =	vld [tilespmem:s30+$0x180C0];
	[tilespmem:s30+$0x11C50] =	vst v4;
	v4 =	vmul.f32 $1.131370830e+01, v10;
	v0 =	vadd.f32 v1, v3  }
0xb7: {  	v8 =	vld [tilespmem:s30+$0x180D0];
	v3 =	vmul.f32 $1.131370830e+01, v11;
	v1 =	vmul.f32 $1.131370830e+01, v52;
	[tilespmem:s30+$0x11C60] =	vst v2;
	v10 =	vadd.f32 v61, v63  }
0xb8: {  	s31 =	simm.s32 $0x100;
	s0 =	simm.s32 $0x800;
	v11 =	vadd.f32 v62, v9;
	v9 =	vld [tilespmem:s30+$0x180E0];
	v2 =	vmul.f32 $1.131370830e+01, v51;
	[tilespmem:s30+$0x11C70] =	vst v0;
	v0 =	vmul.f32 $1.131370830e+01, v53  }
.LBB2_5:
0xb9: {  	p1 =	sne.s32 s0, $0xBC00;
	v12 =	vld [tilespmem:s31+$0x54F0];
	[tilespmem:s30+$0x11C80] =	vst v10;
	v4 =	vadd.f32 v5, v4  }
0xba: {  	v5 =	vld [tilespmem:s31+$0x5400];
	[tilespmem:s30+$0x11C90] =	vst v11;
	v3 =	vadd.f32 v6, v3  }
0xbb: {  	v6 =	vld [tilespmem:s31+$0x180F0];
	[tilespmem:s30+$0x11CA0] =	vst v4;
	v2 =	vadd.f32 v7, v2  }
0xbc: {  	v4 =	vld [tilespmem:s31+$0x5410];
	[tilespmem:s30+$0x11CB0] =	vst v3;
	v1 =	vadd.f32 v8, v1  }
0xbd: {  	v3 =	vld [tilespmem:s31+$0x5420];
	[tilespmem:s30+$0x11CC0] =	vst v2;
	v0 =	vadd.f32 v9, v0  }
0xbe: {  	v2 =	vld [tilespmem:s31+$0x5430];
	v7 =	vmul.f32 $1.131370830e+01, v12;
	[tilespmem:s30+$0x11CD0] =	vst v1  }
0xbf: {  	v5 =	vmul.f32 $1.131370830e+01, v5;
	v1 =	vld [tilespmem:s31+$0x5440];
	[tilespmem:s30+$0x11CE0] =	vst v0;
	s30 =	smov.u32 s31  }
0xc0: {  	v0 =	vld [tilespmem:s30+$0x5450];
	v6 =	vadd.f32 v6, v7  }
0xc1: {  	v7 =	vmul.f32 $1.131370830e+01, v4;
	v4 =	vld [tilespmem:s30+$0x5460]  }
0xc2: {  	v8 =	vmul.f32 $1.131370830e+01, v3;
	v3 =	vld [tilespmem:s30+$0x5470];
	[tilespmem:s30+$0x11CF0] =	vst v6  }
0xc3: {  	v6 =	vmul.f32 $1.131370830e+01, v2;
	v2 =	vld [tilespmem:s30+$0x5480]  }
0xc4: {  	v9 =	vmul.f32 $1.131370830e+01, v1;
	v1 =	vld [tilespmem:s30+$0x5490]  }
0xc5: {  	v10 =	vmul.f32 $1.131370830e+01, v0;
	v0 =	vld [tilespmem:s30+$0x54A0]  }
0xc6: {  	v11 =	vmul.f32 $1.131370830e+01, v4;
	v12 =	vld [tilespmem:s30+$0x54B0]  }
0xc7: {  	v13 =	vmul.f32 $1.131370830e+01, v3;
	v14 =	vld [tilespmem:s30+$0x54C0]  }
0xc8: {  	v15 =	vmul.f32 $1.131370830e+01, v2;
	v16 =	vld [tilespmem:s30+$0x54D0]  }
0xc9: {  	v17 =	vmul.f32 $1.131370830e+01, v1;
	v18 =	vld [tilespmem:s30+$0x54E0]  }
0xca: {  	v19 =	vld [tilespmem:s30+$0x18000];
	v4 =	vmul.f32 $1.131370830e+01, v0  }
0xcb: {  	v20 =	vld [tilespmem:s30+$0x18010];
	v3 =	vmul.f32 $1.131370830e+01, v12  }
0xcc: {  	v12 =	vld [tilespmem:s30+$0x18020];
	v2 =	vmul.f32 $1.131370830e+01, v14  }
0xcd: {  	v14 =	vld [tilespmem:s30+$0x18030];
	v1 =	vmul.f32 $1.131370830e+01, v16  }
0xce: {  	v16 =	vld [tilespmem:s30+$0x18040];
	v0 =	vmul.f32 $1.131370830e+01, v18  }
0xcf: {  	v5 =	vadd.f32 v19, v5;
	v18 =	vld [tilespmem:s30+$0x18050]  }
0xd0: {  	v7 =	vadd.f32 v20, v7;
	v19 =	vld [tilespmem:s30+$0x18060]  }
0xd1: {  	[tilespmem:s30+$0x11C00] =	vst v5;
	v5 =	vadd.f32 v12, v8;
	v8 =	vld [tilespmem:s30+$0x18070]  }
0xd2: {  	[tilespmem:s30+$0x11C10] =	vst v7;
	v6 =	vadd.f32 v14, v6;
	v12 =	vld [tilespmem:s30+$0x18080]  }
0xd3: {  	[tilespmem:s30+$0x11C20] =	vst v5;
	v7 =	vadd.f32 v16, v9;
	v9 =	vld [tilespmem:s30+$0x18090]  }
.Ltmp3:
0xd4: {  	[tilespmem:s30+$0x11C30] =	vst v6;
	v10 =	vadd.f32 v18, v10;
	v5 =	vld [tilespmem:s30+$0x180A0];
	(pc) =	sbr.rel @p1 .LBB2_5-.Ltmp3, $4  }
0xd5: {  	[tilespmem:s30+$0x11C40] =	vst v7;
	v11 =	vadd.f32 v19, v11;
	v6 =	vld [tilespmem:s30+$0x180B0]  }
0xd6: {  	[tilespmem:s30+$0x11C50] =	vst v10;
	v13 =	vadd.f32 v8, v13;
	v7 =	vld [tilespmem:s30+$0x180C0]  }
0xd7: {  	[tilespmem:s30+$0x11C60] =	vst v11;
	v10 =	vadd.f32 v12, v15;
	v8 =	vld [tilespmem:s30+$0x180D0]  }
0xd8: {  	s31 =	sshra.s32 s0, $0x2;
	s0 =	sadd.s32 $0x400, s0;
	[tilespmem:s30+$0x11C70] =	vst v13;
	v11 =	vadd.f32 v9, v17;
	v9 =	vld [tilespmem:s30+$0x180E0]  }
0xd9: {  	v12 =	vld [tilespmem:s31+$0x54F0];
	[tilespmem:s30+$0x11C80] =	vst v10;
	v4 =	vadd.f32 v5, v4  }
0xda: {  	v10 =	vld [tilespmem:s31+$0x5400];
	[tilespmem:s30+$0x11C90] =	vst v11;
	v3 =	vadd.f32 v6, v3  }
0xdb: {  	v5 =	vld [tilespmem:s31+$0x180F0];
	[tilespmem:s30+$0x11CA0] =	vst v4;
	v2 =	vadd.f32 v7, v2  }
0xdc: {  	v4 =	vld [tilespmem:s31+$0x5410];
	[tilespmem:s30+$0x11CB0] =	vst v3;
	v1 =	vadd.f32 v8, v1  }
0xdd: {  	v3 =	vld [tilespmem:s31+$0x5420];
	[tilespmem:s30+$0x11CC0] =	vst v2;
	v0 =	vadd.f32 v9, v0  }
0xde: {  	v2 =	vld [tilespmem:s31+$0x5430];
	[tilespmem:s30+$0x11CD0] =	vst v1  }
0xdf: {  	v6 =	vmul.f32 $1.131370830e+01, v12;
	v1 =	vld [tilespmem:s31+$0x5440];
	[tilespmem:s30+$0x11CE0] =	vst v0  }
0xe0: {  	v0 =	vld [tilespmem:s31+$0x5450]  }
0xe1: {  	v5 =	vadd.f32 v5, v6;
	v6 =	vld [tilespmem:s31+$0x5460]  }
0xe2: {  	v7 =	vld [tilespmem:s31+$0x5470]  }
0xe3: {  	v8 =	vld [tilespmem:s31+$0x5490]  }
0xe4: {  	v9 =	vld [tilespmem:s31+$0x54A0]  }
0xe5: {  	v11 =	vld [tilespmem:s31+$0x54B0]  }
0xe6: {  	v49 =	vld [tilespmem:s31+$0x54C0]  }
0xe7: {  	v13 =	vld [tilespmem:s31+$0x54D0]  }
0xe8: {  	v14 =	vld [tilespmem:s31+$0x54E0]  }
0xe9: {  	v15 =	vld [tilespmem:s31+$0x18000]  }
0xea: {  	v16 =	vld [tilespmem:s31+$0x18010]  }
0xeb: {  	v17 =	vld [tilespmem:s31+$0x18020]  }
0xec: {  	v10 =	vmul.f32 $1.131370830e+01, v10;
	v18 =	vld [tilespmem:s31+$0x18030]  }
0xed: {  	v19 =	vld [tilespmem:s31+$0x18040];
	v4 =	vmul.f32 $1.131370830e+01, v4  }
0xee: {  	v50 =	vld [tilespmem:s31+$0x18050];
	v3 =	vmul.f32 $1.131370830e+01, v3;
	v10 =	vadd.f32 v15, v10  }
0xef: {  	v20 =	vld [tilespmem:s31+$0x18060];
	[tilespmem:s31+$0x11CF0] =	vst v5;
	v2 =	vmul.f32 $1.131370830e+01, v2;
	v4 =	vadd.f32 v16, v4  }
0xf0: {  	v5 =	vld [tilespmem:s31+$0x5480];
	v1 =	vmul.f32 $1.131370830e+01, v1;
	v3 =	vadd.f32 v17, v3;
	[tilespmem:s31+$0x11C00] =	vst v10  }
0xf1: {  	v2 =	vadd.f32 v18, v2;
	v0 =	vmul.f32 $1.131370830e+01, v0;
	v10 =	vld [tilespmem:s31+$0x18070];
	[tilespmem:s31+$0x11C10] =	vst v4  }
0xf2: {  	v6 =	vmul.f32 $1.131370830e+01, v6;
	v1 =	vadd.f32 v19, v1;
	v4 =	vld [tilespmem:s31+$0x18080];
	[tilespmem:s31+$0x11C20] =	vst v3  }
0xf3: {  	v3 =	vld [tilespmem:s31+$0x18090];
	[tilespmem:s31+$0x11C30] =	vst v2;
	v0 =	vadd.f32 v50, v0  }
0xf4: {  	v7 =	vmul.f32 $1.131370830e+01, v7;
	v2 =	vld [tilespmem:s31+$0x180A0];
	v6 =	vadd.f32 v20, v6;
	[tilespmem:s31+$0x11C40] =	vst v1  }
0xf5: {  	v5 =	vmul.f32 $1.131370830e+01, v5;
	v1 =	vld [tilespmem:s31+$0x180B0];
	[tilespmem:s31+$0x11C50] =	vst v0  }
0xf6: {  	v0 =	vld [tilespmem:s31+$0x180C0];
	[tilespmem:s31+$0x11C60] =	vst v6;
	v6 =	vmul.f32 $1.131370830e+01, v8;
	v7 =	vadd.f32 v10, v7  }
0xf7: {  	v9 =	vmul.f32 $1.131370830e+01, v9;
	v8 =	vld [tilespmem:s31+$0x180D0];
	v4 =	vadd.f32 v4, v5  }
0xf8: {  	v5 =	vmul.f32 $1.131370830e+01, v11;
	v3 =	vadd.f32 v3, v6;
	v6 =	vld [tilespmem:s31+$0x180E0];
	[tilespmem:s31+$0x11C70] =	vst v7  }
0xf9: {  	v2 =	vadd.f32 v2, v9;
	v7 =	vmul.f32 $1.131370830e+01, v49;
	[tilespmem:s31+$0x11C80] =	vst v4  }
0xfa: {  	v4 =	vmul.f32 $1.131370830e+01, v13;
	[tilespmem:s31+$0x11C90] =	vst v3;
	v1 =	vadd.f32 v1, v5  }
0xfb: {  	v3 =	vmul.f32 $1.131370830e+01, v14;
	[tilespmem:s31+$0x11CA0] =	vst v2;
	v0 =	vadd.f32 v0, v7  }
0xfc: {  	[tilespmem:s31+$0x11CB0] =	vst v1;
	v1 =	vadd.f32 v8, v4  }
0xfd: {  	[tilespmem:s31+$0x11CC0] =	vst v0;
	v0 =	vadd.f32 v6, v3  }
0xfe: {  	[tilespmem:s31+$0x11CD0] =	vst v1  }
0xff: {  	s0 =	sadd.s32 $0x680, s28;
	[tilespmem:s31+$0x11CE0] =	vst v0  }
0x100: {  	[hbm4b:s0+s4] =	stream.linear.scatter [tilespmem:s21], [sflag:$0x4], $0x3000, $0x38;
	[tilespmem:$0x1B000] =	vst v63  }
0x101: {  	s30 =	simm.s32 @!p0 $0x64;
	s31 =	simm.s32 @!p0 $0x5200;
	s0 =	sadd.s32 @!p0 $0x280, s29  }
0x102: {  	[tilespmem:s31], [sflag:$0x1] =	stream.indirect.gather @!p0 [hbm4b:s2+s30], $0x80, s0, s30, $0xb8;
	[tilespmem:$0x1B000] =	vst v63  }
0x103: {  	_ =	swait.ge [sflag:s22], $0x6400  }
0x104: {  	[sflag:s22] =	ssyncset.done $0x0  }
0x105: {  	[sflag:s22] =	ssyncadd.s32 $0xFFFF9C00  }
0x106: {  	_ =	swait.ge [sflag:s23], $0x3400  }
0x107: {  	[sflag:s23] =	ssyncset.done $0x0  }
0x108: {  	s30 =	simm.s32 $0xF0;
	[sflag:s23] =	ssyncadd.s32 $0xFFFFCC00  }
0x109: {  	v0 =	vld [tilespmem:s30+$0x8400]  }
0x10a: {  	v1 =	vld [tilespmem:s30+$0x8310]  }
0x10b: {  	v2 =	vld [tilespmem:s30+$0x14C00]  }
0x10c: {  	v3 =	vld [tilespmem:s30+$0x8320]  }
0x10d: {  	v4 =	vld [tilespmem:s30+$0x8330]  }
0x10e: {  	v5 =	vld [tilespmem:s30+$0x8340]  }
0x10f: {  	v6 =	vld [tilespmem:s30+$0x8350]  }
0x110: {  	v7 =	vld [tilespmem:s30+$0x8360]  }
0x111: {  	v8 =	vld [tilespmem:s30+$0x8380]  }
0x112: {  	v9 =	vld [tilespmem:s30+$0x83A0]  }
0x113: {  	v10 =	vld [tilespmem:s30+$0x83B0]  }
0x114: {  	v11 =	vld [tilespmem:s30+$0x83C0]  }
0x115: {  	v51 =	vld [tilespmem:s30+$0x83D0]  }
0x116: {  	v52 =	vld [tilespmem:s30+$0x83E0]  }
0x117: {  	v53 =	vld [tilespmem:s30+$0x83F0]  }
0x118: {  	v54 =	vld [tilespmem:s30+$0x14B10]  }
0x119: {  	v55 =	vld [tilespmem:s30+$0x14B20]  }
0x11a: {  	v56 =	vld [tilespmem:s30+$0x14B30]  }
0x11b: {  	v57 =	vld [tilespmem:s30+$0x14B40];
	v0 =	vmul.f32 $1.131370830e+01, v0  }
0x11c: {  	v58 =	vld [tilespmem:s30+$0x14B50];
	v3 =	vmul.f32 $1.131370830e+01, v3  }
0x11d: {  	v59 =	vld [tilespmem:s30+$0x14B60];
	v1 =	vmul.f32 $1.131370830e+01, v1;
	v0 =	vadd.f32 v2, v0  }
0x11e: {  	v4 =	vmul.f32 $1.131370830e+01, v4;
	v2 =	vld [tilespmem:s30+$0x8370];
	v3 =	vadd.f32 v55, v3  }
0x11f: {  	v60 =	vld [tilespmem:s30+$0x14B70];
	v5 =	vmul.f32 $1.131370830e+01, v5;
	v1 =	vadd.f32 v54, v1;
	[tilespmem:s30+$0xE800] =	vst v0  }
0x120: {  	v4 =	vadd.f32 v56, v4;
	v0 =	vld [tilespmem:s30+$0x8390];
	[tilespmem:s30+$0xE720] =	vst v3;
	v3 =	vmul.f32 $1.131370830e+01, v6  }
0x121: {  	v5 =	vadd.f32 v57, v5;
	[tilespmem:s30+$0xE710] =	vst v1;
	v1 =	vld [tilespmem:s30+$0x14B80]  }
0x122: {  	v61 =	vld [tilespmem:s30+$0x14B90];
	[tilespmem:s30+$0xE730] =	vst v4;
	v4 =	vmul.f32 $1.131370830e+01, v7;
	v3 =	vadd.f32 v58, v3  }
0x123: {  	v62 =	vld [tilespmem:s30+$0x14BA0];
	[tilespmem:s30+$0xE740] =	vst v5;
	v2 =	vmul.f32 $1.131370830e+01, v2  }
0x124: {  	v5 =	vld [tilespmem:s30+$0x14BB0];
	v4 =	vadd.f32 v59, v4;
	[tilespmem:s30+$0xE750] =	vst v3;
	v3 =	vmul.f32 $1.131370830e+01, v8  }
0x125: {  	v6 =	vld [tilespmem:s30+$0x14BC0];
	v2 =	vadd.f32 v60, v2;
	v63 =	vmul.f32 $1.131370830e+01, v0  }
0x126: {  	v9 =	vmul.f32 $1.131370830e+01, v9;
	v7 =	vld [tilespmem:s30+$0x14BD0];
	[tilespmem:s30+$0xE760] =	vst v4;
	v4 =	vmul.f32 $1.131370830e+01, v10;
	v0 =	vadd.f32 v1, v3  }
0x127: {  	v8 =	vld [tilespmem:s30+$0x14BE0];
	v3 =	vmul.f32 $1.131370830e+01, v11;
	v1 =	vmul.f32 $1.131370830e+01, v52;
	[tilespmem:s30+$0xE770] =	vst v2;
	v10 =	vadd.f32 v61, v63  }
0x128: {  	s31 =	simm.s32 $0x1F0;
	s0 =	simm.s32 $0xBC0;
	v11 =	vadd.f32 v62, v9;
	v9 =	vld [tilespmem:s30+$0x14BF0];
	v2 =	vmul.f32 $1.131370830e+01, v51;
	[tilespmem:s30+$0xE780] =	vst v0;
	v0 =	vmul.f32 $1.131370830e+01, v53  }
.LBB2_7:
0x129: {  	p1 =	sne.s32 s0, $0xCFC0;
	v12 =	vld [tilespmem:s31+$0x8400];
	[tilespmem:s30+$0xE790] =	vst v10;
	v4 =	vadd.f32 v5, v4  }
0x12a: {  	v5 =	vld [tilespmem:s31+$0x8310];
	[tilespmem:s30+$0xE7A0] =	vst v11;
	v3 =	vadd.f32 v6, v3  }
0x12b: {  	v6 =	vld [tilespmem:s31+$0x14C00];
	[tilespmem:s30+$0xE7B0] =	vst v4;
	v2 =	vadd.f32 v7, v2  }
0x12c: {  	v4 =	vld [tilespmem:s31+$0x8320];
	[tilespmem:s30+$0xE7C0] =	vst v3;
	v1 =	vadd.f32 v8, v1  }
0x12d: {  	v3 =	vld [tilespmem:s31+$0x8330];
	[tilespmem:s30+$0xE7D0] =	vst v2;
	v0 =	vadd.f32 v9, v0  }
0x12e: {  	v2 =	vld [tilespmem:s31+$0x8340];
	v7 =	vmul.f32 $1.131370830e+01, v12;
	[tilespmem:s30+$0xE7E0] =	vst v1  }
0x12f: {  	v5 =	vmul.f32 $1.131370830e+01, v5;
	v1 =	vld [tilespmem:s31+$0x8350];
	[tilespmem:s30+$0xE7F0] =	vst v0;
	s30 =	smov.u32 s31  }
0x130: {  	v0 =	vld [tilespmem:s30+$0x8360];
	v6 =	vadd.f32 v6, v7  }
0x131: {  	v7 =	vmul.f32 $1.131370830e+01, v4;
	v4 =	vld [tilespmem:s30+$0x8370]  }
0x132: {  	v8 =	vmul.f32 $1.131370830e+01, v3;
	v3 =	vld [tilespmem:s30+$0x8380];
	[tilespmem:s30+$0xE800] =	vst v6  }
0x133: {  	v6 =	vmul.f32 $1.131370830e+01, v2;
	v2 =	vld [tilespmem:s30+$0x8390]  }
0x134: {  	v9 =	vmul.f32 $1.131370830e+01, v1;
	v1 =	vld [tilespmem:s30+$0x83A0]  }
0x135: {  	v10 =	vmul.f32 $1.131370830e+01, v0;
	v0 =	vld [tilespmem:s30+$0x83B0]  }
0x136: {  	v11 =	vmul.f32 $1.131370830e+01, v4;
	v12 =	vld [tilespmem:s30+$0x83C0]  }
0x137: {  	v13 =	vmul.f32 $1.131370830e+01, v3;
	v14 =	vld [tilespmem:s30+$0x83D0]  }
0x138: {  	v15 =	vmul.f32 $1.131370830e+01, v2;
	v16 =	vld [tilespmem:s30+$0x83E0]  }
0x139: {  	v17 =	vmul.f32 $1.131370830e+01, v1;
	v18 =	vld [tilespmem:s30+$0x83F0]  }
0x13a: {  	v19 =	vld [tilespmem:s30+$0x14B10];
	v4 =	vmul.f32 $1.131370830e+01, v0  }
0x13b: {  	v20 =	vld [tilespmem:s30+$0x14B20];
	v3 =	vmul.f32 $1.131370830e+01, v12  }
0x13c: {  	v12 =	vld [tilespmem:s30+$0x14B30];
	v2 =	vmul.f32 $1.131370830e+01, v14  }
0x13d: {  	v14 =	vld [tilespmem:s30+$0x14B40];
	v1 =	vmul.f32 $1.131370830e+01, v16  }
0x13e: {  	v16 =	vld [tilespmem:s30+$0x14B50];
	v0 =	vmul.f32 $1.131370830e+01, v18  }
0x13f: {  	v5 =	vadd.f32 v19, v5;
	v18 =	vld [tilespmem:s30+$0x14B60]  }
0x140: {  	v7 =	vadd.f32 v20, v7;
	v19 =	vld [tilespmem:s30+$0x14B70]  }
0x141: {  	[tilespmem:s30+$0xE710] =	vst v5;
	v5 =	vadd.f32 v12, v8;
	v8 =	vld [tilespmem:s30+$0x14B80]  }
0x142: {  	[tilespmem:s30+$0xE720] =	vst v7;
	v6 =	vadd.f32 v14, v6;
	v12 =	vld [tilespmem:s30+$0x14B90]  }
0x143: {  	[tilespmem:s30+$0xE730] =	vst v5;
	v7 =	vadd.f32 v16, v9;
	v9 =	vld [tilespmem:s30+$0x14BA0]  }
.Ltmp4:
0x144: {  	[tilespmem:s30+$0xE740] =	vst v6;
	v10 =	vadd.f32 v18, v10;
	v5 =	vld [tilespmem:s30+$0x14BB0];
	(pc) =	sbr.rel @p1 .LBB2_7-.Ltmp4, $4  }
0x145: {  	[tilespmem:s30+$0xE750] =	vst v7;
	v11 =	vadd.f32 v19, v11;
	v6 =	vld [tilespmem:s30+$0x14BC0]  }
0x146: {  	[tilespmem:s30+$0xE760] =	vst v10;
	v13 =	vadd.f32 v8, v13;
	v7 =	vld [tilespmem:s30+$0x14BD0]  }
0x147: {  	[tilespmem:s30+$0xE770] =	vst v11;
	v10 =	vadd.f32 v12, v15;
	v8 =	vld [tilespmem:s30+$0x14BE0]  }
0x148: {  	s31 =	sshra.s32 s0, $0x2;
	s0 =	sadd.s32 $0x400, s0;
	[tilespmem:s30+$0xE780] =	vst v13;
	v11 =	vadd.f32 v9, v17;
	v9 =	vld [tilespmem:s30+$0x14BF0]  }
0x149: {  	v12 =	vld [tilespmem:s31+$0x8400];
	[tilespmem:s30+$0xE790] =	vst v10;
	v4 =	vadd.f32 v5, v4  }
0x14a: {  	v10 =	vld [tilespmem:s31+$0x8310];
	[tilespmem:s30+$0xE7A0] =	vst v11;
	v3 =	vadd.f32 v6, v3  }
0x14b: {  	v5 =	vld [tilespmem:s31+$0x14C00];
	[tilespmem:s30+$0xE7B0] =	vst v4;
	v2 =	vadd.f32 v7, v2  }
0x14c: {  	v4 =	vld [tilespmem:s31+$0x8320];
	[tilespmem:s30+$0xE7C0] =	vst v3;
	v1 =	vadd.f32 v8, v1  }
0x14d: {  	v3 =	vld [tilespmem:s31+$0x8330];
	[tilespmem:s30+$0xE7D0] =	vst v2;
	v0 =	vadd.f32 v9, v0  }
0x14e: {  	v2 =	vld [tilespmem:s31+$0x8340];
	[tilespmem:s30+$0xE7E0] =	vst v1  }
0x14f: {  	v6 =	vmul.f32 $1.131370830e+01, v12;
	v1 =	vld [tilespmem:s31+$0x8350];
	[tilespmem:s30+$0xE7F0] =	vst v0  }
0x150: {  	v0 =	vld [tilespmem:s31+$0x8360]  }
0x151: {  	v5 =	vadd.f32 v5, v6;
	v6 =	vld [tilespmem:s31+$0x8370]  }
0x152: {  	v7 =	vld [tilespmem:s31+$0x8380]  }
0x153: {  	v8 =	vld [tilespmem:s31+$0x83A0]  }
0x154: {  	v9 =	vld [tilespmem:s31+$0x83B0]  }
0x155: {  	v11 =	vld [tilespmem:s31+$0x83C0]  }
0x156: {  	v49 =	vld [tilespmem:s31+$0x83D0]  }
0x157: {  	v13 =	vld [tilespmem:s31+$0x83E0]  }
0x158: {  	v14 =	vld [tilespmem:s31+$0x83F0]  }
0x159: {  	v15 =	vld [tilespmem:s31+$0x14B10]  }
0x15a: {  	v16 =	vld [tilespmem:s31+$0x14B20]  }
0x15b: {  	v17 =	vld [tilespmem:s31+$0x14B30]  }
0x15c: {  	v10 =	vmul.f32 $1.131370830e+01, v10;
	v18 =	vld [tilespmem:s31+$0x14B40]  }
0x15d: {  	v19 =	vld [tilespmem:s31+$0x14B50];
	v4 =	vmul.f32 $1.131370830e+01, v4  }
0x15e: {  	v50 =	vld [tilespmem:s31+$0x14B60];
	v3 =	vmul.f32 $1.131370830e+01, v3;
	v10 =	vadd.f32 v15, v10  }
0x15f: {  	v20 =	vld [tilespmem:s31+$0x14B70];
	[tilespmem:s31+$0xE800] =	vst v5;
	v2 =	vmul.f32 $1.131370830e+01, v2;
	v4 =	vadd.f32 v16, v4  }
0x160: {  	v5 =	vld [tilespmem:s31+$0x8390];
	v1 =	vmul.f32 $1.131370830e+01, v1;
	v3 =	vadd.f32 v17, v3;
	[tilespmem:s31+$0xE710] =	vst v10  }
0x161: {  	v2 =	vadd.f32 v18, v2;
	v0 =	vmul.f32 $1.131370830e+01, v0;
	v10 =	vld [tilespmem:s31+$0x14B80];
	[tilespmem:s31+$0xE720] =	vst v4  }
0x162: {  	v6 =	vmul.f32 $1.131370830e+01, v6;
	v1 =	vadd.f32 v19, v1;
	v4 =	vld [tilespmem:s31+$0x14B90];
	[tilespmem:s31+$0xE730] =	vst v3  }
0x163: {  	v3 =	vld [tilespmem:s31+$0x14BA0];
	[tilespmem:s31+$0xE740] =	vst v2;
	v0 =	vadd.f32 v50, v0  }
0x164: {  	v7 =	vmul.f32 $1.131370830e+01, v7;
	v2 =	vld [tilespmem:s31+$0x14BB0];
	v6 =	vadd.f32 v20, v6;
	[tilespmem:s31+$0xE750] =	vst v1  }
0x165: {  	v5 =	vmul.f32 $1.131370830e+01, v5;
	v1 =	vld [tilespmem:s31+$0x14BC0];
	[tilespmem:s31+$0xE760] =	vst v0  }
0x166: {  	v0 =	vld [tilespmem:s31+$0x14BD0];
	[tilespmem:s31+$0xE770] =	vst v6;
	v6 =	vmul.f32 $1.131370830e+01, v8;
	v7 =	vadd.f32 v10, v7  }
0x167: {  	v9 =	vmul.f32 $1.131370830e+01, v9;
	v8 =	vld [tilespmem:s31+$0x14BE0];
	v4 =	vadd.f32 v4, v5  }
0x168: {  	v5 =	vmul.f32 $1.131370830e+01, v11;
	v3 =	vadd.f32 v3, v6;
	v6 =	vld [tilespmem:s31+$0x14BF0];
	[tilespmem:s31+$0xE780] =	vst v7  }
0x169: {  	v2 =	vadd.f32 v2, v9;
	v7 =	vmul.f32 $1.131370830e+01, v49;
	[tilespmem:s31+$0xE790] =	vst v4  }
0x16a: {  	v4 =	vmul.f32 $1.131370830e+01, v13;
	[tilespmem:s31+$0xE7A0] =	vst v3;
	v1 =	vadd.f32 v1, v5  }
0x16b: {  	v3 =	vmul.f32 $1.131370830e+01, v14;
	[tilespmem:s31+$0xE7B0] =	vst v2;
	v0 =	vadd.f32 v0, v7  }
0x16c: {  	[tilespmem:s31+$0xE7C0] =	vst v1;
	v1 =	vadd.f32 v8, v4  }
0x16d: {  	[tilespmem:s31+$0xE7D0] =	vst v0;
	v0 =	vadd.f32 v6, v3  }
0x16e: {  	[tilespmem:s31+$0xE7E0] =	vst v1  }
0x16f: {  	s0 =	sadd.s32 $0xC80, s28;
	[tilespmem:s31+$0xE7F0] =	vst v0  }
0x170: {  	[hbm4b:s0+s4] =	stream.linear.scatter [tilespmem:s20], [sflag:$0x3], $0x3400, $0x38;
	[tilespmem:$0x1B000] =	vst v63  }
0x171: {  	s30 =	simm.s32 @!p0 $0x8400;
	s0 =	sadd.s32 @!p0 $0x300, s29;
	s29 =	simm.s32 @!p0 $0x64  }
0x172: {  	[tilespmem:s30], [sflag:$0x2] =	stream.indirect.gather @!p0 [hbm4b:s2+s29], $0x80, s0, s29, $0xb8;
	[tilespmem:$0x1B000] =	vst v63  }
0x173: {  	_ =	swait.ge [sflag:s24], $0x3000  }
0x174: {  	[sflag:s24] =	ssyncset.done $0x0  }
0x175: {  	s29 =	simm.s32 $0x0;
	[sflag:s24] =	ssyncadd.s32 $0xFFFFD000  }
0x176: {  	v0 =	vld [tilespmem:s29+$0xB8F0]  }
0x177: {  	v1 =	vld [tilespmem:s29+$0xB800]  }
0x178: {  	v2 =	vld [tilespmem:s29+$0x180F0]  }
0x179: {  	v3 =	vld [tilespmem:s29+$0xB810]  }
0x17a: {  	v4 =	vld [tilespmem:s29+$0xB820]  }
0x17b: {  	v5 =	vld [tilespmem:s29+$0xB830]  }
0x17c: {  	v6 =	vld [tilespmem:s29+$0xB840]  }
0x17d: {  	v7 =	vld [tilespmem:s29+$0xB850]  }
0x17e: {  	v8 =	vld [tilespmem:s29+$0xB870]  }
0x17f: {  	v9 =	vld [tilespmem:s29+$0xB890]  }
0x180: {  	v10 =	vld [tilespmem:s29+$0xB8A0]  }
0x181: {  	v11 =	vld [tilespmem:s29+$0xB8B0]  }
0x182: {  	v51 =	vld [tilespmem:s29+$0xB8C0]  }
0x183: {  	v52 =	vld [tilespmem:s29+$0xB8D0]  }
0x184: {  	v53 =	vld [tilespmem:s29+$0xB8E0]  }
0x185: {  	v54 =	vld [tilespmem:s29+$0x18000]  }
0x186: {  	v55 =	vld [tilespmem:s29+$0x18010]  }
0x187: {  	v56 =	vld [tilespmem:s29+$0x18020]  }
0x188: {  	v57 =	vld [tilespmem:s29+$0x18030];
	v0 =	vmul.f32 $1.131370830e+01, v0  }
0x189: {  	v58 =	vld [tilespmem:s29+$0x18040];
	v3 =	vmul.f32 $1.131370830e+01, v3  }
0x18a: {  	v59 =	vld [tilespmem:s29+$0x18050];
	v1 =	vmul.f32 $1.131370830e+01, v1;
	v0 =	vadd.f32 v2, v0  }
0x18b: {  	v4 =	vmul.f32 $1.131370830e+01, v4;
	v2 =	vld [tilespmem:s29+$0xB860];
	v3 =	vadd.f32 v55, v3  }
0x18c: {  	v60 =	vld [tilespmem:s29+$0x18060];
	v5 =	vmul.f32 $1.131370830e+01, v5;
	v1 =	vadd.f32 v54, v1;
	[tilespmem:s29+$0x11CF0] =	vst v0  }
0x18d: {  	v4 =	vadd.f32 v56, v4;
	v0 =	vld [tilespmem:s29+$0xB880];
	[tilespmem:s29+$0x11C10] =	vst v3;
	v3 =	vmul.f32 $1.131370830e+01, v6  }
0x18e: {  	v5 =	vadd.f32 v57, v5;
	[tilespmem:s29+$0x11C00] =	vst v1;
	v1 =	vld [tilespmem:s29+$0x18070]  }
0x18f: {  	v61 =	vld [tilespmem:s29+$0x18080];
	[tilespmem:s29+$0x11C20] =	vst v4;
	v4 =	vmul.f32 $1.131370830e+01, v7;
	v3 =	vadd.f32 v58, v3  }
0x190: {  	v62 =	vld [tilespmem:s29+$0x18090];
	[tilespmem:s29+$0x11C30] =	vst v5;
	v2 =	vmul.f32 $1.131370830e+01, v2  }
0x191: {  	v5 =	vld [tilespmem:s29+$0x180A0];
	v4 =	vadd.f32 v59, v4;
	[tilespmem:s29+$0x11C40] =	vst v3;
	v3 =	vmul.f32 $1.131370830e+01, v8  }
0x192: {  	v6 =	vld [tilespmem:s29+$0x180B0];
	v2 =	vadd.f32 v60, v2;
	v63 =	vmul.f32 $1.131370830e+01, v0  }
0x193: {  	v9 =	vmul.f32 $1.131370830e+01, v9;
	v7 =	vld [tilespmem:s29+$0x180C0];
	[tilespmem:s29+$0x11C50] =	vst v4;
	v4 =	vmul.f32 $1.131370830e+01, v10;
	v0 =	vadd.f32 v1, v3  }
0x194: {  	v8 =	vld [tilespmem:s29+$0x180D0];
	v3 =	vmul.f32 $1.131370830e+01, v11;
	v1 =	vmul.f32 $1.131370830e+01, v52;
	[tilespmem:s29+$0x11C60] =	vst v2;
	v10 =	vadd.f32 v61, v63  }
0x195: {  	s30 =	simm.s32 $0x100;
	s0 =	simm.s32 $0x800;
	v11 =	vadd.f32 v62, v9;
	v9 =	vld [tilespmem:s29+$0x180E0];
	v2 =	vmul.f32 $1.131370830e+01, v51;
	[tilespmem:s29+$0x11C70] =	vst v0;
	v0 =	vmul.f32 $1.131370830e+01, v53  }
.LBB2_9:
0x196: {  	p1 =	sne.s32 s0, $0xBC00;
	v12 =	vld [tilespmem:s30+$0xB8F0];
	[tilespmem:s29+$0x11C80] =	vst v10;
	v4 =	vadd.f32 v5, v4  }
0x197: {  	v5 =	vld [tilespmem:s30+$0xB800];
	[tilespmem:s29+$0x11C90] =	vst v11;
	v3 =	vadd.f32 v6, v3  }
0x198: {  	v6 =	vld [tilespmem:s30+$0x180F0];
	[tilespmem:s29+$0x11CA0] =	vst v4;
	v2 =	vadd.f32 v7, v2  }
0x199: {  	v4 =	vld [tilespmem:s30+$0xB810];
	[tilespmem:s29+$0x11CB0] =	vst v3;
	v1 =	vadd.f32 v8, v1  }
0x19a: {  	v3 =	vld [tilespmem:s30+$0xB820];
	[tilespmem:s29+$0x11CC0] =	vst v2;
	v0 =	vadd.f32 v9, v0  }
0x19b: {  	v2 =	vld [tilespmem:s30+$0xB830];
	v7 =	vmul.f32 $1.131370830e+01, v12;
	[tilespmem:s29+$0x11CD0] =	vst v1  }
0x19c: {  	v5 =	vmul.f32 $1.131370830e+01, v5;
	v1 =	vld [tilespmem:s30+$0xB840];
	[tilespmem:s29+$0x11CE0] =	vst v0;
	s29 =	smov.u32 s30  }
0x19d: {  	v0 =	vld [tilespmem:s29+$0xB850];
	v6 =	vadd.f32 v6, v7  }
0x19e: {  	v7 =	vmul.f32 $1.131370830e+01, v4;
	v4 =	vld [tilespmem:s29+$0xB860]  }
0x19f: {  	v8 =	vmul.f32 $1.131370830e+01, v3;
	v3 =	vld [tilespmem:s29+$0xB870];
	[tilespmem:s29+$0x11CF0] =	vst v6  }
0x1a0: {  	v6 =	vmul.f32 $1.131370830e+01, v2;
	v2 =	vld [tilespmem:s29+$0xB880]  }
0x1a1: {  	v9 =	vmul.f32 $1.131370830e+01, v1;
	v1 =	vld [tilespmem:s29+$0xB890]  }
0x1a2: {  	v10 =	vmul.f32 $1.131370830e+01, v0;
	v0 =	vld [tilespmem:s29+$0xB8A0]  }
0x1a3: {  	v11 =	vmul.f32 $1.131370830e+01, v4;
	v12 =	vld [tilespmem:s29+$0xB8B0]  }
0x1a4: {  	v13 =	vmul.f32 $1.131370830e+01, v3;
	v14 =	vld [tilespmem:s29+$0xB8C0]  }
0x1a5: {  	v15 =	vmul.f32 $1.131370830e+01, v2;
	v16 =	vld [tilespmem:s29+$0xB8D0]  }
0x1a6: {  	v17 =	vmul.f32 $1.131370830e+01, v1;
	v18 =	vld [tilespmem:s29+$0xB8E0]  }
0x1a7: {  	v19 =	vld [tilespmem:s29+$0x18000];
	v4 =	vmul.f32 $1.131370830e+01, v0  }
0x1a8: {  	v20 =	vld [tilespmem:s29+$0x18010];
	v3 =	vmul.f32 $1.131370830e+01, v12  }
0x1a9: {  	v12 =	vld [tilespmem:s29+$0x18020];
	v2 =	vmul.f32 $1.131370830e+01, v14  }
0x1aa: {  	v14 =	vld [tilespmem:s29+$0x18030];
	v1 =	vmul.f32 $1.131370830e+01, v16  }
0x1ab: {  	v16 =	vld [tilespmem:s29+$0x18040];
	v0 =	vmul.f32 $1.131370830e+01, v18  }
0x1ac: {  	v5 =	vadd.f32 v19, v5;
	v18 =	vld [tilespmem:s29+$0x18050]  }
0x1ad: {  	v7 =	vadd.f32 v20, v7;
	v19 =	vld [tilespmem:s29+$0x18060]  }
0x1ae: {  	[tilespmem:s29+$0x11C00] =	vst v5;
	v5 =	vadd.f32 v12, v8;
	v8 =	vld [tilespmem:s29+$0x18070]  }
0x1af: {  	[tilespmem:s29+$0x11C10] =	vst v7;
	v6 =	vadd.f32 v14, v6;
	v12 =	vld [tilespmem:s29+$0x18080]  }
0x1b0: {  	[tilespmem:s29+$0x11C20] =	vst v5;
	v7 =	vadd.f32 v16, v9;
	v9 =	vld [tilespmem:s29+$0x18090]  }
.Ltmp5:
0x1b1: {  	[tilespmem:s29+$0x11C30] =	vst v6;
	v10 =	vadd.f32 v18, v10;
	v5 =	vld [tilespmem:s29+$0x180A0];
	(pc) =	sbr.rel @p1 .LBB2_9-.Ltmp5, $4  }
0x1b2: {  	[tilespmem:s29+$0x11C40] =	vst v7;
	v11 =	vadd.f32 v19, v11;
	v6 =	vld [tilespmem:s29+$0x180B0]  }
0x1b3: {  	[tilespmem:s29+$0x11C50] =	vst v10;
	v13 =	vadd.f32 v8, v13;
	v7 =	vld [tilespmem:s29+$0x180C0]  }
0x1b4: {  	[tilespmem:s29+$0x11C60] =	vst v11;
	v10 =	vadd.f32 v12, v15;
	v8 =	vld [tilespmem:s29+$0x180D0]  }
0x1b5: {  	s30 =	sshra.s32 s0, $0x2;
	s0 =	sadd.s32 $0x400, s0;
	[tilespmem:s29+$0x11C70] =	vst v13;
	v11 =	vadd.f32 v9, v17;
	v9 =	vld [tilespmem:s29+$0x180E0]  }
0x1b6: {  	v12 =	vld [tilespmem:s30+$0xB8F0];
	[tilespmem:s29+$0x11C80] =	vst v10;
	v4 =	vadd.f32 v5, v4  }
0x1b7: {  	v10 =	vld [tilespmem:s30+$0xB800];
	[tilespmem:s29+$0x11C90] =	vst v11;
	v3 =	vadd.f32 v6, v3  }
0x1b8: {  	v40 =	vld [tilespmem:s30+$0x180F0];
	[tilespmem:s29+$0x11CA0] =	vst v4;
	v2 =	vadd.f32 v7, v2  }
0x1b9: {  	v4 =	vld [tilespmem:s30+$0xB810];
	[tilespmem:s29+$0x11CB0] =	vst v3;
	v1 =	vadd.f32 v8, v1  }
0x1ba: {  	v3 =	vld [tilespmem:s30+$0xB820];
	[tilespmem:s29+$0x11CC0] =	vst v2;
	v0 =	vadd.f32 v9, v0  }
0x1bb: {  	v2 =	vld [tilespmem:s30+$0xB830];
	[tilespmem:s29+$0x11CD0] =	vst v1  }
0x1bc: {  	v1 =	vld [tilespmem:s30+$0xB840];
	[tilespmem:s29+$0x11CE0] =	vst v0  }
0x1bd: {  	v0 =	vld [tilespmem:s30+$0xB850]  }
0x1be: {  	v42 =	vld [tilespmem:s30+$0xB860]  }
0x1bf: {  	v43 =	vld [tilespmem:s30+$0xB870]  }
0x1c0: {  	v44 =	vld [tilespmem:s30+$0xB880]  }
0x1c1: {  	v45 =	vld [tilespmem:s30+$0xB890]  }
0x1c2: {  	v46 =	vld [tilespmem:s30+$0xB8A0]  }
0x1c3: {  	v11 =	vld [tilespmem:s30+$0xB8B0]  }
0x1c4: {  	v47 =	vld [tilespmem:s30+$0xB8C0]  }
0x1c5: {  	v13 =	vld [tilespmem:s30+$0xB8D0]  }
0x1c6: {  	v14 =	vld [tilespmem:s30+$0xB8E0]  }
0x1c7: {  	v15 =	vld [tilespmem:s30+$0x18000]  }
0x1c8: {  	v16 =	vld [tilespmem:s30+$0x18010]  }
0x1c9: {  	v41 =	vmul.f32 $1.131370830e+01, v12;
	v17 =	vld [tilespmem:s30+$0x18020]  }
0x1ca: {  	v10 =	vmul.f32 $1.131370830e+01, v10;
	v18 =	vld [tilespmem:s30+$0x18030]  }
0x1cb: {  	v5 =	vadd.f32 v40, v41;
	v19 =	vld [tilespmem:s30+$0x18040];
	v4 =	vmul.f32 $1.131370830e+01, v4  }
0x1cc: {  	v48 =	vld [tilespmem:s30+$0x18050];
	v3 =	vmul.f32 $1.131370830e+01, v3;
	v10 =	vadd.f32 v15, v10  }
0x1cd: {  	v20 =	vld [tilespmem:s30+$0x18060];
	[tilespmem:s30+$0x11CF0] =	vst v5;
	v2 =	vmul.f32 $1.131370830e+01, v2;
	v4 =	vadd.f32 v16, v4  }
0x1ce: {  	v49 =	vld [tilespmem:s30+$0x18070];
	v1 =	vmul.f32 $1.131370830e+01, v1;
	v3 =	vadd.f32 v17, v3;
	[tilespmem:s30+$0x11C00] =	vst v10  }
0x1cf: {  	v50 =	vld [tilespmem:s30+$0x18080];
	v2 =	vadd.f32 v18, v2;
	v0 =	vmul.f32 $1.131370830e+01, v0;
	[tilespmem:s30+$0x11C10] =	vst v4  }
0x1d0: {  	v51 =	vld [tilespmem:s30+$0x18090];
	v6 =	vmul.f32 $1.131370830e+01, v42;
	v1 =	vadd.f32 v19, v1;
	[tilespmem:s30+$0x11C20] =	vst v3  }
0x1d1: {  	v52 =	vld [tilespmem:s30+$0x180A0];
	v7 =	vmul.f32 $1.131370830e+01, v43;
	[tilespmem:s30+$0x11C30] =	vst v2;
	v0 =	vadd.f32 v48, v0  }
0x1d2: {  	v56 =	vld [tilespmem:s30+$0x180D0];
	v5 =	vmul.f32 $1.131370830e+01, v44;
	v6 =	vadd.f32 v20, v6;
	[tilespmem:s30+$0x11C40] =	vst v1  }
0x1d3: {  	v58 =	vld [tilespmem:s30+$0x180E0];
	v55 =	vmul.f32 $1.131370830e+01, v45;
	v7 =	vadd.f32 v49, v7;
	[tilespmem:s30+$0x11C50] =	vst v0  }
0x1d4: {  	v53 =	vld [tilespmem:s30+$0x180B0];
	v9 =	vmul.f32 $1.131370830e+01, v46;
	v4 =	vadd.f32 v50, v5;
	[tilespmem:s30+$0x11C60] =	vst v6  }
0x1d5: {  	v54 =	vld [tilespmem:s30+$0x180C0];
	v60 =	vmul.f32 $1.131370830e+01, v13;
	v3 =	vadd.f32 v51, v55;
	[tilespmem:s30+$0x11C70] =	vst v7  }
0x1d6: {  	v61 =	vmul.f32 $1.131370830e+01, v14;
	v2 =	vadd.f32 v52, v9;
	[tilespmem:s30+$0x11C80] =	vst v4  }
0x1d7: {  	v57 =	vmul.f32 $1.131370830e+01, v11;
	v62 =	vadd.f32 v56, v60;
	[tilespmem:s30+$0x11C90] =	vst v3  }
0x1d8: {  	v59 =	vmul.f32 $1.131370830e+01, v47;
	v63 =	vadd.f32 v58, v61;
	[tilespmem:s30+$0x11CA0] =	vst v2  }
.Ltmp6:
0x1d9: {  	v1 =	vadd.f32 v53, v57;
	[tilespmem:s30+$0x11CD0] =	vst v62;
	(pc) =	sbr.rel @p0 .LBB2_12-.Ltmp6, $4  }
0x1da: {  	v0 =	vadd.f32 v54, v59;
	[tilespmem:s30+$0x11CE0] =	vst v63  }
0x1db: {  	[tilespmem:s30+$0x11CB0] =	vst v1  }
0x1dc: {  	s0 =	sadd.s32 $0x1300, s28;
	[tilespmem:s30+$0x11CC0] =	vst v0  }
0x1dd: {  	[hbm4b:s0+s4] =	stream.linear.scatter [tilespmem:s21], [sflag:$0x4], $0x3000, $0x38;
	[tilespmem:$0x1B000] =	vst v63  }
.Ltmp7:
0x1de: {  	(pc) =	sbr.rel .LBB2_2-.Ltmp7, $4  }
0x1df: {  	s0 =	sshll.u32 s26, $0x9  }
0x1e0: {  	s0 =	sand.u32 $0x3FFFFE00, s0  }
0x1e1: {  	s26 =	sadd.s32 $0x1, s26;
	s0 =	sadd.s32 $0x380, s0  }
0x1e2: {  	[tilespmem:s18], [sflag:$0x2] =	stream.indirect.gather [hbm4b:s2+s11], $0x80, s0, s11, $0xb8;
	[tilespmem:$0x1B000] =	vst v63  }
.LBB2_13:
0x1e3: {  	_ =	sfence.sel $0x180000  }
0x1e4: {  	[bflag:$0x0] =	sbarrier.arrive $0xFFFF  }
0x1e5: {  	_ =	strace $0x90000047  }
0x1e6: {  	[bflag:$0x2] =	sbarrier.arrive $0xFFFF  }
0x1e7: {  	p0 =	sne.s32 s1, $0x0;
	s0 =	rddreg [dreg:$0x3]  }
0x1e8: {  	s0 =	sadd.s32 @!p0 $0x100000, s0  }
0x1e9: {  	[sflag:s0] =	ssyncadd.tile.s32 @!p0 $0x1;
	_ =	shalt  }
.Lfunc_end2:
_tile_overlayer_lowered:
.L_overlay_start_2:
0x1ea: {  	(tag) =	ssettag $0x2  }
0x1eb: {  	s0 =	rddreg [dreg:$0x0];
	s2 =	stileid.u32  }
0x1ec: {  	s1 =	rddreg [dreg:$0x1];
	p0 =	sne.s32 s2, $0x0  }
0x1ed: {  	s3 =	rddreg [dreg:$0x2];
	[bflag:$0x3] =	sbarrier.arrive $0xFFFF;
	s2 =	simm.s32 @!p0 $0x1C05  }
0x1ee: {  	[timem:s3], [sflag:s2] =	dma.local @!p0 [hbm:s0], s1  }
0x1ef: {  	s0 =	simm.s32 @!p0 $0x5  }
0x1f0: {  	_ =	swait.ge @!p0 [sflag:s0], s1  }
0x1f1: {  	s1 =	ssub.s32 @!p0 $0x0, s1;
	[sflag:s0] =	ssyncset.done @!p0 $0x0  }
0x1f2: {  	[sflag:s0] =	ssyncadd.s32 @!p0 s1  }
0x1f3: {  	[bflag:$0x3] =	sbarrier.arrive $0xFFFF  }
0x1f4: {  	_ =	shalt  }

</sc_bundles>
